<compile_context>
chip_gen: v7x
topology: tpu7x:2x2x1
jax: 0.10.2.dev20260603
libtpu: 0.0.44.dev20260713+nightly
codegen_flags: <defaults>
</compile_context>

<pallas_src>
import functools

import jax
import jax.numpy as jnp
from jax import lax
from jax.experimental import pallas as pl
from jax.experimental.pallas import tpu as pltpu
from jax.experimental.pallas import tpu_sc as plsc

B = 16384
D = 128
NUM_CORES = 2
NUM_SUBCORES = 16
NW = NUM_CORES * NUM_SUBCORES
RPW = B // NW
C = 128
NCHUNK = RPW // C
NACC = 8


def _sc_kernel(u_idx_hbm, i_idx_hbm, u_emb_hbm, i_emb_hbm, out_hbm,
               uix_v, iix_v, u_buf0, u_buf1, u_buf2, i_buf0, i_buf1, i_buf2,
               out_v, sem_u0, sem_u1, sem_u2, sem_i0, sem_i1, sem_i2):
    wid = lax.axis_index("s") * NUM_CORES + lax.axis_index("c")
    base = wid * RPW

    cx = pltpu.async_copy(u_idx_hbm.at[pl.ds(base, RPW)], uix_v, sem_u0)
    cy = pltpu.async_copy(i_idx_hbm.at[pl.ds(base, RPW)], iix_v, sem_i0)
    cx.wait()
    cy.wait()

    u_bufs = (u_buf0, u_buf1, u_buf2)
    i_bufs = (i_buf0, i_buf1, i_buf2)
    sems_u = (sem_u0, sem_u1, sem_u2)
    sems_i = (sem_i0, sem_i1, sem_i2)

    lane = lax.iota(jnp.int32, 16)

    def start(c):
        s = c % 3
        cu = pltpu.async_copy(u_emb_hbm.at[uix_v.at[pl.ds(c * C, C)]],
                              u_bufs[s], sems_u[s])
        ci = pltpu.async_copy(i_emb_hbm.at[iix_v.at[pl.ds(c * C, C)]],
                              i_bufs[s], sems_i[s])
        return cu, ci

    pending = [start(0), start(1)]
    for c in range(NCHUNK):
        cu, ci = pending.pop(0)
        if c + 2 < NCHUNK:
            pending.append(start(c + 2))
        cu.wait()
        ci.wait()
        ub = u_bufs[c % 3]
        ib = i_bufs[c % 3]

        def group_body(g, _, ub=ub, ib=ib, c=c):
            row = lane + g * 16

            def d_body(t, accs, ub=ub, ib=ib, row=row):
                accs = list(accs)
                dlane = lane + t * 16
                for k in range(16):
                    col = (dlane + k) & (D - 1)
                    uv = plsc.load_gather(ub, [row, col])
                    iv = plsc.load_gather(ib, [row, col])
                    accs[k % NACC] = accs[k % NACC] + uv * iv
                return tuple(accs)

            accs = lax.fori_loop(
                0, D // 16, d_body,
                tuple(jnp.zeros((16,), jnp.float32) for _ in range(NACC)))
            accs = list(accs)
            while len(accs) > 1:
                accs = [a + b for a, b in zip(accs[0::2], accs[1::2])]
            out_v[pl.ds(c * C + g * 16, 16)] = accs[0]
            return 0

        lax.fori_loop(0, C // 16, group_body, 0)

    pltpu.sync_copy(out_v, out_hbm.at[pl.ds(base, RPW)])


@jax.jit
def kernel(u_idx, i_idx, user_emb, item_emb):
    mesh = plsc.VectorSubcoreMesh(core_axis_name="c", subcore_axis_name="s")
    f = functools.partial(
        pl.kernel,
        mesh=mesh,
        compiler_params=pltpu.CompilerParams(needs_layout_passes=False),
        out_type=jax.ShapeDtypeStruct((B,), jnp.float32),
        scratch_types=[
            pltpu.VMEM((RPW,), jnp.int32),
            pltpu.VMEM((RPW,), jnp.int32),
            pltpu.VMEM((C, D), jnp.float32),
            pltpu.VMEM((C, D), jnp.float32),
            pltpu.VMEM((C, D), jnp.float32),
            pltpu.VMEM((C, D), jnp.float32),
            pltpu.VMEM((C, D), jnp.float32),
            pltpu.VMEM((C, D), jnp.float32),
            pltpu.VMEM((RPW,), jnp.float32),
            pltpu.SemaphoreType.DMA,
            pltpu.SemaphoreType.DMA,
            pltpu.SemaphoreType.DMA,
            pltpu.SemaphoreType.DMA,
            pltpu.SemaphoreType.DMA,
            pltpu.SemaphoreType.DMA,
        ],
    )(_sc_kernel)
    return f(u_idx, i_idx, user_emb, item_emb)

# --- scband reference (transcript-rebuilt; emitter-appended) ---
"""Pipeline reference for scband-bprmf-57294863729076 (READ-ONLY COPY).

The authoritative reference and input builder live on the scoring server;
editing this copy changes nothing except your own understanding.
"""

import jax, jax.numpy as jnp
import numpy as np

NUM_USERS = 100000
NUM_ITEMS = 1000000
EMB_DIM = 128
BATCH = 16384


def setup_inputs(seed: int = 0) -> dict:
    key = jax.random.key(seed)
    k_u, k_i, k_ue, k_ie = jax.random.split(key, 4)
    u_idx = jax.random.randint(k_u, (BATCH,), 0, NUM_USERS, dtype=jnp.int64 if jax.config.jax_enable_x64 else jnp.int32).astype(jnp.int32)
    i_idx = jax.random.randint(k_i, (BATCH,), 0, NUM_ITEMS, dtype=jnp.int64 if jax.config.jax_enable_x64 else jnp.int32).astype(jnp.int32)
    # Learned parameters: embedding tables initialized with std=0.1 (matches nn.init.normal_(std=0.1))
    user_emb = jax.random.normal(k_ue, (NUM_USERS, EMB_DIM), dtype=jnp.float32) * 0.1
    item_emb = jax.random.normal(k_ie, (NUM_ITEMS, EMB_DIM), dtype=jnp.float32) * 0.1
    return {"u_idx": u_idx, "i_idx": i_idx, "user_emb": user_emb, "item_emb": item_emb}


def reference(u_idx, i_idx, user_emb, item_emb):
    # BPRMF.score: gather user/item embeddings, elementwise product, sum over emb dim
    u = jnp.take(user_emb, u_idx, axis=0)  # [B, D]
    i = jnp.take(item_emb, i_idx, axis=0)  # [B, D]
    return (u * i).sum(axis=-1)  # [B]

if __name__ == "__main__":
    import jax
    _d = setup_inputs()
    print(jax.jit(kernel)(*tuple(_d.values())))

</pallas_src>

<mosaic_0001>
#map = affine_map<(d0, d1) -> (0)>
#map1 = affine_map<(d0, d1) -> (0, 0)>
module attributes {stable_mosaic.version = 14 : i64} {
  func.func @_sc_kernel(%arg0: i32, %arg1: i32, %arg2: memref<16384xi32, #tpu.memory_space<hbm>>, %arg3: memref<16384xi32, #tpu.memory_space<hbm>>, %arg4: memref<100000x128xf32, #tpu.memory_space<hbm>>, %arg5: memref<1000000x128xf32, #tpu.memory_space<hbm>>, %arg6: memref<16384xf32, #tpu.memory_space<hbm>>, %arg7: memref<512xi32, #tpu.memory_space<vmem>>, %arg8: memref<512xi32, #tpu.memory_space<vmem>>, %arg9: memref<128x128xf32, #tpu.memory_space<vmem>>, %arg10: memref<128x128xf32, #tpu.memory_space<vmem>>, %arg11: memref<128x128xf32, #tpu.memory_space<vmem>>, %arg12: memref<128x128xf32, #tpu.memory_space<vmem>>, %arg13: memref<128x128xf32, #tpu.memory_space<vmem>>, %arg14: memref<128x128xf32, #tpu.memory_space<vmem>>, %arg15: memref<512xf32, #tpu.memory_space<vmem>>, %arg16: memref<!tpu.dma_semaphore, #tpu.memory_space<semaphore_mem>>, %arg17: memref<!tpu.dma_semaphore, #tpu.memory_space<semaphore_mem>>, %arg18: memref<!tpu.dma_semaphore, #tpu.memory_space<semaphore_mem>>, %arg19: memref<!tpu.dma_semaphore, #tpu.memory_space<semaphore_mem>>, %arg20: memref<!tpu.dma_semaphore, #tpu.memory_space<semaphore_mem>>, %arg21: memref<!tpu.dma_semaphore, #tpu.memory_space<semaphore_mem>>) attributes {dimension_semantics = [#tpu.dimension_semantics<core_parallel>, #tpu.dimension_semantics<subcore_parallel>], iteration_bounds = array<i64: 2, 16>, scalar_prefetch = 0 : i64, scratch_operands = 15 : i64, tpu.core_type = #tpu.core_type<sc_vector_subcore>, window_params = [{transform_indices = #map}, {transform_indices = #map}, {transform_indices = #map1}, {transform_indices = #map1}, {transform_indices = #map}]} {
    %mul3A = arith.constant 2 : i32
    %mul3A_0 = arith.muli %arg1, %mul3A : i32
    %add3A = arith.addi %mul3A_0, %arg0 : i32
    %mul3A_1 = arith.constant 512 : i32
    %mul3A_2 = arith.muli %add3A, %mul3A_1 : i32
    %dma_start3A = tpu.memref_slice %arg2[%mul3A_2] : memref<16384xi32, #tpu.memory_space<hbm>> -> memref<512xi32, #tpu.memory_space<hbm>>
    %dma_start3A_3 = tpu.memref_slice %arg2[%mul3A_2] : memref<16384xi32, #tpu.memory_space<hbm>> -> memref<512xi32, #tpu.memory_space<hbm>>
    tpu.enqueue_dma source(%dma_start3A_3 : memref<512xi32, #tpu.memory_space<hbm>>) target(%arg7 : memref<512xi32, #tpu.memory_space<vmem>>) target_semaphore(%arg16 : memref<!tpu.dma_semaphore, #tpu.memory_space<semaphore_mem>>)
    %dma_start3A_4 = tpu.memref_slice %arg3[%mul3A_2] : memref<16384xi32, #tpu.memory_space<hbm>> -> memref<512xi32, #tpu.memory_space<hbm>>
    %dma_start3A_5 = tpu.memref_slice %arg3[%mul3A_2] : memref<16384xi32, #tpu.memory_space<hbm>> -> memref<512xi32, #tpu.memory_space<hbm>>
    tpu.enqueue_dma source(%dma_start3A_5 : memref<512xi32, #tpu.memory_space<hbm>>) target(%arg8 : memref<512xi32, #tpu.memory_space<vmem>>) target_semaphore(%arg19 : memref<!tpu.dma_semaphore, #tpu.memory_space<semaphore_mem>>)
    %dma_wait3A = tpu.memref_slice %arg2[%mul3A_2] : memref<16384xi32, #tpu.memory_space<hbm>> -> memref<512xi32, #tpu.memory_space<hbm>>
    %dma_wait3A_6 = tpu.memref_slice %arg2[%mul3A_2] : memref<16384xi32, #tpu.memory_space<hbm>> -> memref<512xi32, #tpu.memory_space<hbm>>
    tpu.wait_dma2 semaphore(%arg16 : memref<!tpu.dma_semaphore, #tpu.memory_space<semaphore_mem>>) src(%dma_wait3A_6 : memref<512xi32, #tpu.memory_space<hbm>>) dst(%arg7 : memref<512xi32, #tpu.memory_space<vmem>>)
    %dma_wait3A_7 = tpu.memref_slice %arg3[%mul3A_2] : memref<16384xi32, #tpu.memory_space<hbm>> -> memref<512xi32, #tpu.memory_space<hbm>>
    %dma_wait3A_8 = tpu.memref_slice %arg3[%mul3A_2] : memref<16384xi32, #tpu.memory_space<hbm>> -> memref<512xi32, #tpu.memory_space<hbm>>
    tpu.wait_dma2 semaphore(%arg19 : memref<!tpu.dma_semaphore, #tpu.memory_space<semaphore_mem>>) src(%dma_wait3A_8 : memref<512xi32, #tpu.memory_space<hbm>>) dst(%arg8 : memref<512xi32, #tpu.memory_space<vmem>>)
    %iota3A = tpu.iota {dimensions = array<i32: 0>} : vector<16xi32>
    %dma_start3A_9 = arith.constant 0 : i32
    %dma_start3A_10 = tpu.memref_slice %arg7[%dma_start3A_9] : memref<512xi32, #tpu.memory_space<vmem>> -> memref<128xi32, #tpu.memory_space<vmem>>
    %dma_start3A_11 = arith.constant 0 : i32
    %dma_start3A_12 = arith.constant 0 : i32
    %dma_start3A_13 = tpu.memref_slice %arg4[%dma_start3A_11, %dma_start3A_12] : memref<100000x128xf32, #tpu.memory_space<hbm>> -> memref<100000x128xf32, #tpu.memory_space<hbm>>
    tpu.enqueue_indirect_dma source(%dma_start3A_13 : memref<100000x128xf32, #tpu.memory_space<hbm>>) target(%arg9 : memref<128x128xf32, #tpu.memory_space<vmem>>) offsets(%dma_start3A_10 : memref<128xi32, #tpu.memory_space<vmem>>) semaphore(%arg16 : memref<!tpu.dma_semaphore, #tpu.memory_space<semaphore_mem>>)
    %dma_start3A_14 = arith.constant 0 : i32
    %dma_start3A_15 = tpu.memref_slice %arg8[%dma_start3A_14] : memref<512xi32, #tpu.memory_space<vmem>> -> memref<128xi32, #tpu.memory_space<vmem>>
    %dma_start3A_16 = arith.constant 0 : i32
    %dma_start3A_17 = arith.constant 0 : i32
    %dma_start3A_18 = tpu.memref_slice %arg5[%dma_start3A_16, %dma_start3A_17] : memref<1000000x128xf32, #tpu.memory_space<hbm>> -> memref<1000000x128xf32, #tpu.memory_space<hbm>>
    tpu.enqueue_indirect_dma source(%dma_start3A_18 : memref<1000000x128xf32, #tpu.memory_space<hbm>>) target(%arg12 : memref<128x128xf32, #tpu.memory_space<vmem>>) offsets(%dma_start3A_15 : memref<128xi32, #tpu.memory_space<vmem>>) semaphore(%arg19 : memref<!tpu.dma_semaphore, #tpu.memory_space<semaphore_mem>>)
    %dma_start3A_19 = arith.constant 128 : i32
    %dma_start3A_20 = tpu.memref_slice %arg7[%dma_start3A_19] : memref<512xi32, #tpu.memory_space<vmem>> -> memref<128xi32, #tpu.memory_space<vmem>>
    %dma_start3A_21 = arith.constant 0 : i32
    %dma_start3A_22 = arith.constant 0 : i32
    %dma_start3A_23 = tpu.memref_slice %arg4[%dma_start3A_21, %dma_start3A_22] : memref<100000x128xf32, #tpu.memory_space<hbm>> -> memref<100000x128xf32, #tpu.memory_space<hbm>>
    tpu.enqueue_indirect_dma source(%dma_start3A_23 : memref<100000x128xf32, #tpu.memory_space<hbm>>) target(%arg10 : memref<128x128xf32, #tpu.memory_space<vmem>>) offsets(%dma_start3A_20 : memref<128xi32, #tpu.memory_space<vmem>>) semaphore(%arg17 : memref<!tpu.dma_semaphore, #tpu.memory_space<semaphore_mem>>)
    %dma_start3A_24 = arith.constant 128 : i32
    %dma_start3A_25 = tpu.memref_slice %arg8[%dma_start3A_24] : memref<512xi32, #tpu.memory_space<vmem>> -> memref<128xi32, #tpu.memory_space<vmem>>
    %dma_start3A_26 = arith.constant 0 : i32
    %dma_start3A_27 = arith.constant 0 : i32
    %dma_start3A_28 = tpu.memref_slice %arg5[%dma_start3A_26, %dma_start3A_27] : memref<1000000x128xf32, #tpu.memory_space<hbm>> -> memref<1000000x128xf32, #tpu.memory_space<hbm>>
    tpu.enqueue_indirect_dma source(%dma_start3A_28 : memref<1000000x128xf32, #tpu.memory_space<hbm>>) target(%arg13 : memref<128x128xf32, #tpu.memory_space<vmem>>) offsets(%dma_start3A_25 : memref<128xi32, #tpu.memory_space<vmem>>) semaphore(%arg20 : memref<!tpu.dma_semaphore, #tpu.memory_space<semaphore_mem>>)
    %dma_start3A_29 = arith.constant 256 : i32
    %dma_start3A_30 = tpu.memref_slice %arg7[%dma_start3A_29] : memref<512xi32, #tpu.memory_space<vmem>> -> memref<128xi32, #tpu.memory_space<vmem>>
    %dma_start3A_31 = arith.constant 0 : i32
    %dma_start3A_32 = arith.constant 0 : i32
    %dma_start3A_33 = tpu.memref_slice %arg4[%dma_start3A_31, %dma_start3A_32] : memref<100000x128xf32, #tpu.memory_space<hbm>> -> memref<100000x128xf32, #tpu.memory_space<hbm>>
    tpu.enqueue_indirect_dma source(%dma_start3A_33 : memref<100000x128xf32, #tpu.memory_space<hbm>>) target(%arg11 : memref<128x128xf32, #tpu.memory_space<vmem>>) offsets(%dma_start3A_30 : memref<128xi32, #tpu.memory_space<vmem>>) semaphore(%arg18 : memref<!tpu.dma_semaphore, #tpu.memory_space<semaphore_mem>>)
    %dma_start3A_34 = arith.constant 256 : i32
    %dma_start3A_35 = tpu.memref_slice %arg8[%dma_start3A_34] : memref<512xi32, #tpu.memory_space<vmem>> -> memref<128xi32, #tpu.memory_space<vmem>>
    %dma_start3A_36 = arith.constant 0 : i32
    %dma_start3A_37 = arith.constant 0 : i32
    %dma_start3A_38 = tpu.memref_slice %arg5[%dma_start3A_36, %dma_start3A_37] : memref<1000000x128xf32, #tpu.memory_space<hbm>> -> memref<1000000x128xf32, #tpu.memory_space<hbm>>
    tpu.enqueue_indirect_dma source(%dma_start3A_38 : memref<1000000x128xf32, #tpu.memory_space<hbm>>) target(%arg14 : memref<128x128xf32, #tpu.memory_space<vmem>>) offsets(%dma_start3A_35 : memref<128xi32, #tpu.memory_space<vmem>>) semaphore(%arg21 : memref<!tpu.dma_semaphore, #tpu.memory_space<semaphore_mem>>)
    %dma_wait3A_39 = arith.constant 0 : i32
    %dma_wait3A_40 = tpu.memref_slice %arg7[%dma_wait3A_39] : memref<512xi32, #tpu.memory_space<vmem>> -> memref<128xi32, #tpu.memory_space<vmem>>
    %dma_wait3A_41 = arith.constant 0 : i32
    %dma_wait3A_42 = arith.constant 0 : i32
    %dma_wait3A_43 = tpu.memref_slice %arg4[%dma_wait3A_41, %dma_wait3A_42] : memref<100000x128xf32, #tpu.memory_space<hbm>> -> memref<100000x128xf32, #tpu.memory_space<hbm>>
    tpu.wait_indirect_dma semaphore(%arg16 : memref<!tpu.dma_semaphore, #tpu.memory_space<semaphore_mem>>) src(%dma_wait3A_43 : memref<100000x128xf32, #tpu.memory_space<hbm>>) dst(%arg9 : memref<128x128xf32, #tpu.memory_space<vmem>>)
    %dma_wait3A_44 = arith.constant 0 : i32
    %dma_wait3A_45 = tpu.memref_slice %arg8[%dma_wait3A_44] : memref<512xi32, #tpu.memory_space<vmem>> -> memref<128xi32, #tpu.memory_space<vmem>>
    %dma_wait3A_46 = arith.constant 0 : i32
    %dma_wait3A_47 = arith.constant 0 : i32
    %dma_wait3A_48 = tpu.memref_slice %arg5[%dma_wait3A_46, %dma_wait3A_47] : memref<1000000x128xf32, #tpu.memory_space<hbm>> -> memref<1000000x128xf32, #tpu.memory_space<hbm>>
    tpu.wait_indirect_dma semaphore(%arg19 : memref<!tpu.dma_semaphore, #tpu.memory_space<semaphore_mem>>) src(%dma_wait3A_48 : memref<1000000x128xf32, #tpu.memory_space<hbm>>) dst(%arg12 : memref<128x128xf32, #tpu.memory_space<vmem>>)
    %scan3A = arith.constant 0 : i32
    %scan3A_49 = arith.constant 0 : i32
    %scan3A_50 = arith.constant 8 : i32
    %scan3A_51 = arith.addi %scan3A_49, %scan3A_50 : i32
    %scan3A_52 = arith.constant 1 : i32
    %scan3A_53 = scf.for %scan3A_116 = %scan3A_49 to %scan3A_51 step %scan3A_52 iter_args(%scan3A_117 = %scan3A) -> (i32)  : i32 {
      %mul3A_118 = arith.constant 16 : i32
      %mul3A_119 = arith.muli %scan3A_116, %mul3A_118 : i32
      %add3A_120 = vector.broadcast %mul3A_119 : i32 to vector<16xi32>
      %add3A_121 = arith.addi %iota3A, %add3A_120 : vector<16xi32>
      %broadcast_in_dim3A = arith.constant 0.000000e+00 : f32
      %broadcast_in_dim3A_122 = vector.broadcast %broadcast_in_dim3A : f32 to vector<16xf32>
      %broadcast_in_dim3A_123 = arith.constant 0.000000e+00 : f32
      %broadcast_in_dim3A_124 = vector.broadcast %broadcast_in_dim3A_123 : f32 to vector<16xf32>
      %broadcast_in_dim3A_125 = arith.constant 0.000000e+00 : f32
      %broadcast_in_dim3A_126 = vector.broadcast %broadcast_in_dim3A_125 : f32 to vector<16xf32>
      %broadcast_in_dim3A_127 = arith.constant 0.000000e+00 : f32
      %broadcast_in_dim3A_128 = vector.broadcast %broadcast_in_dim3A_127 : f32 to vector<16xf32>
      %broadcast_in_dim3A_129 = arith.constant 0.000000e+00 : f32
      %broadcast_in_dim3A_130 = vector.broadcast %broadcast_in_dim3A_129 : f32 to vector<16xf32>
      %broadcast_in_dim3A_131 = arith.constant 0.000000e+00 : f32
      %broadcast_in_dim3A_132 = vector.broadcast %broadcast_in_dim3A_131 : f32 to vector<16xf32>
      %broadcast_in_dim3A_133 = arith.constant 0.000000e+00 : f32
      %broadcast_in_dim3A_134 = vector.broadcast %broadcast_in_dim3A_133 : f32 to vector<16xf32>
      %broadcast_in_dim3A_135 = arith.constant 0.000000e+00 : f32
      %broadcast_in_dim3A_136 = vector.broadcast %broadcast_in_dim3A_135 : f32 to vector<16xf32>
      %scan3A_137 = arith.constant 0 : i32
      %scan3A_138 = arith.constant 8 : i32
      %scan3A_139 = arith.addi %scan3A_137, %scan3A_138 : i32
      %scan3A_140 = arith.constant 1 : i32
      %scan3A_141:8 = scf.for %scan3A_156 = %scan3A_137 to %scan3A_139 step %scan3A_140 iter_args(%scan3A_157 = %broadcast_in_dim3A_122, %scan3A_158 = %broadcast_in_dim3A_124, %scan3A_159 = %broadcast_in_dim3A_126, %scan3A_160 = %broadcast_in_dim3A_128, %scan3A_161 = %broadcast_in_dim3A_130, %scan3A_162 = %broadcast_in_dim3A_132, %scan3A_163 = %broadcast_in_dim3A_134, %scan3A_164 = %broadcast_in_dim3A_136) -> (vector<16xf32>, vector<16xf32>, vector<16xf32>, vector<16xf32>, vector<16xf32>, vector<16xf32>, vector<16xf32>, vector<16xf32>)  : i32 {
        %mul3A_165 = arith.constant 16 : i32
        %mul3A_166 = arith.muli %scan3A_156, %mul3A_165 : i32
        %add3A_167 = vector.broadcast %mul3A_166 : i32 to vector<16xi32>
        %add3A_168 = arith.addi %iota3A, %add3A_167 : vector<16xi32>
        %add3A_169 = arith.constant 0 : i32
        %add3A_170 = vector.broadcast %add3A_169 : i32 to vector<16xi32>
        %add3A_171 = arith.addi %add3A_168, %add3A_170 : vector<16xi32>
        %and3A = arith.constant 127 : i32
        %and3A_172 = vector.broadcast %and3A : i32 to vector<16xi32>
        %and3A_173 = arith.andi %add3A_171, %and3A_172 : vector<16xi32>
        %gather3A = tpu.vector_load_idx %arg9[%add3A_121, %and3A_173] : memref<128x128xf32, #tpu.memory_space<vmem>>[vector<16xi32>, vector<16xi32>], vector<16xf32>,
        %gather3A_174 = tpu.vector_load_idx %arg12[%add3A_121, %and3A_173] : memref<128x128xf32, #tpu.memory_space<vmem>>[vector<16xi32>, vector<16xi32>], vector<16xf32>,
        %mul3A_175 = arith.mulf %gather3A, %gather3A_174 : vector<16xf32>
        %add3A_176 = arith.addf %scan3A_157, %mul3A_175 : vector<16xf32>
        %add3A_177 = arith.constant 1 : i32
        %add3A_178 = vector.broadcast %add3A_177 : i32 to vector<16xi32>
        %add3A_179 = arith.addi %add3A_168, %add3A_178 : vector<16xi32>
        %and3A_180 = arith.constant 127 : i32
        %and3A_181 = vector.broadcast %and3A_180 : i32 to vector<16xi32>
        %and3A_182 = arith.andi %add3A_179, %and3A_181 : vector<16xi32>
        %gather3A_183 = tpu.vector_load_idx %arg9[%add3A_121, %and3A_182] : memref<128x128xf32, #tpu.memory_space<vmem>>[vector<16xi32>, vector<16xi32>], vector<16xf32>,
        %gather3A_184 = tpu.vector_load_idx %arg12[%add3A_121, %and3A_182] : memref<128x128xf32, #tpu.memory_space<vmem>>[vector<16xi32>, vector<16xi32>], vector<16xf32>,
        %mul3A_185 = arith.mulf %gather3A_183, %gather3A_184 : vector<16xf32>
        %add3A_186 = arith.addf %scan3A_158, %mul3A_185 : vector<16xf32>
        %add3A_187 = arith.constant 2 : i32
        %add3A_188 = vector.broadcast %add3A_187 : i32 to vector<16xi32>
        %add3A_189 = arith.addi %add3A_168, %add3A_188 : vector<16xi32>
        %and3A_190 = arith.constant 127 : i32
        %and3A_191 = vector.broadcast %and3A_190 : i32 to vector<16xi32>
        %and3A_192 = arith.andi %add3A_189, %and3A_191 : vector<16xi32>
        %gather3A_193 = tpu.vector_load_idx %arg9[%add3A_121, %and3A_192] : memref<128x128xf32, #tpu.memory_space<vmem>>[vector<16xi32>, vector<16xi32>], vector<16xf32>,
        %gather3A_194 = tpu.vector_load_idx %arg12[%add3A_121, %and3A_192] : memref<128x128xf32, #tpu.memory_space<vmem>>[vector<16xi32>, vector<16xi32>], vector<16xf32>,
        %mul3A_195 = arith.mulf %gather3A_193, %gather3A_194 : vector<16xf32>
        %add3A_196 = arith.addf %scan3A_159, %mul3A_195 : vector<16xf32>
        %add3A_197 = arith.constant 3 : i32
        %add3A_198 = vector.broadcast %add3A_197 : i32 to vector<16xi32>
        %add3A_199 = arith.addi %add3A_168, %add3A_198 : vector<16xi32>
        %and3A_200 = arith.constant 127 : i32
        %and3A_201 = vector.broadcast %and3A_200 : i32 to vector<16xi32>
        %and3A_202 = arith.andi %add3A_199, %and3A_201 : vector<16xi32>
        %gather3A_203 = tpu.vector_load_idx %arg9[%add3A_121, %and3A_202] : memref<128x128xf32, #tpu.memory_space<vmem>>[vector<16xi32>, vector<16xi32>], vector<16xf32>,
        %gather3A_204 = tpu.vector_load_idx %arg12[%add3A_121, %and3A_202] : memref<128x128xf32, #tpu.memory_space<vmem>>[vector<16xi32>, vector<16xi32>], vector<16xf32>,
        %mul3A_205 = arith.mulf %gather3A_203, %gather3A_204 : vector<16xf32>
        %add3A_206 = arith.addf %scan3A_160, %mul3A_205 : vector<16xf32>
        %add3A_207 = arith.constant 4 : i32
        %add3A_208 = vector.broadcast %add3A_207 : i32 to vector<16xi32>
        %add3A_209 = arith.addi %add3A_168, %add3A_208 : vector<16xi32>
        %and3A_210 = arith.constant 127 : i32
        %and3A_211 = vector.broadcast %and3A_210 : i32 to vector<16xi32>
        %and3A_212 = arith.andi %add3A_209, %and3A_211 : vector<16xi32>
        %gather3A_213 = tpu.vector_load_idx %arg9[%add3A_121, %and3A_212] : memref<128x128xf32, #tpu.memory_space<vmem>>[vector<16xi32>, vector<16xi32>], vector<16xf32>,
        %gather3A_214 = tpu.vector_load_idx %arg12[%add3A_121, %and3A_212] : memref<128x128xf32, #tpu.memory_space<vmem>>[vector<16xi32>, vector<16xi32>], vector<16xf32>,
        %mul3A_215 = arith.mulf %gather3A_213, %gather3A_214 : vector<16xf32>
        %add3A_216 = arith.addf %scan3A_161, %mul3A_215 : vector<16xf32>
        %add3A_217 = arith.constant 5 : i32
        %add3A_218 = vector.broadcast %add3A_217 : i32 to vector<16xi32>
        %add3A_219 = arith.addi %add3A_168, %add3A_218 : vector<16xi32>
        %and3A_220 = arith.constant 127 : i32
        %and3A_221 = vector.broadcast %and3A_220 : i32 to vector<16xi32>
        %and3A_222 = arith.andi %add3A_219, %and3A_221 : vector<16xi32>
        %gather3A_223 = tpu.vector_load_idx %arg9[%add3A_121, %and3A_222] : memref<128x128xf32, #tpu.memory_space<vmem>>[vector<16xi32>, vector<16xi32>], vector<16xf32>,
        %gather3A_224 = tpu.vector_load_idx %arg12[%add3A_121, %and3A_222] : memref<128x128xf32, #tpu.memory_space<vmem>>[vector<16xi32>, vector<16xi32>], vector<16xf32>,
        %mul3A_225 = arith.mulf %gather3A_223, %gather3A_224 : vector<16xf32>
        %add3A_226 = arith.addf %scan3A_162, %mul3A_225 : vector<16xf32>
        %add3A_227 = arith.constant 6 : i32
        %add3A_228 = vector.broadcast %add3A_227 : i32 to vector<16xi32>
        %add3A_229 = arith.addi %add3A_168, %add3A_228 : vector<16xi32>
        %and3A_230 = arith.constant 127 : i32
        %and3A_231 = vector.broadcast %and3A_230 : i32 to vector<16xi32>
        %and3A_232 = arith.andi %add3A_229, %and3A_231 : vector<16xi32>
        %gather3A_233 = tpu.vector_load_idx %arg9[%add3A_121, %and3A_232] : memref<128x128xf32, #tpu.memory_space<vmem>>[vector<16xi32>, vector<16xi32>], vector<16xf32>,
        %gather3A_234 = tpu.vector_load_idx %arg12[%add3A_121, %and3A_232] : memref<128x128xf32, #tpu.memory_space<vmem>>[vector<16xi32>, vector<16xi32>], vector<16xf32>,
        %mul3A_235 = arith.mulf %gather3A_233, %gather3A_234 : vector<16xf32>
        %add3A_236 = arith.addf %scan3A_163, %mul3A_235 : vector<16xf32>
        %add3A_237 = arith.constant 7 : i32
        %add3A_238 = vector.broadcast %add3A_237 : i32 to vector<16xi32>
        %add3A_239 = arith.addi %add3A_168, %add3A_238 : vector<16xi32>
        %and3A_240 = arith.constant 127 : i32
        %and3A_241 = vector.broadcast %and3A_240 : i32 to vector<16xi32>
        %and3A_242 = arith.andi %add3A_239, %and3A_241 : vector<16xi32>
        %gather3A_243 = tpu.vector_load_idx %arg9[%add3A_121, %and3A_242] : memref<128x128xf32, #tpu.memory_space<vmem>>[vector<16xi32>, vector<16xi32>], vector<16xf32>,
        %gather3A_244 = tpu.vector_load_idx %arg12[%add3A_121, %and3A_242] : memref<128x128xf32, #tpu.memory_space<vmem>>[vector<16xi32>, vector<16xi32>], vector<16xf32>,
        %mul3A_245 = arith.mulf %gather3A_243, %gather3A_244 : vector<16xf32>
        %add3A_246 = arith.addf %scan3A_164, %mul3A_245 : vector<16xf32>
        %add3A_247 = arith.constant 8 : i32
        %add3A_248 = vector.broadcast %add3A_247 : i32 to vector<16xi32>
        %add3A_249 = arith.addi %add3A_168, %add3A_248 : vector<16xi32>
        %and3A_250 = arith.constant 127 : i32
        %and3A_251 = vector.broadcast %and3A_250 : i32 to vector<16xi32>
        %and3A_252 = arith.andi %add3A_249, %and3A_251 : vector<16xi32>
        %gather3A_253 = tpu.vector_load_idx %arg9[%add3A_121, %and3A_252] : memref<128x128xf32, #tpu.memory_space<vmem>>[vector<16xi32>, vector<16xi32>], vector<16xf32>,
        %gather3A_254 = tpu.vector_load_idx %arg12[%add3A_121, %and3A_252] : memref<128x128xf32, #tpu.memory_space<vmem>>[vector<16xi32>, vector<16xi32>], vector<16xf32>,
        %mul3A_255 = arith.mulf %gather3A_253, %gather3A_254 : vector<16xf32>
        %add3A_256 = arith.addf %add3A_176, %mul3A_255 : vector<16xf32>
        %add3A_257 = arith.constant 9 : i32
        %add3A_258 = vector.broadcast %add3A_257 : i32 to vector<16xi32>
        %add3A_259 = arith.addi %add3A_168, %add3A_258 : vector<16xi32>
        %and3A_260 = arith.constant 127 : i32
        %and3A_261 = vector.broadcast %and3A_260 : i32 to vector<16xi32>
        %and3A_262 = arith.andi %add3A_259, %and3A_261 : vector<16xi32>
        %gather3A_263 = tpu.vector_load_idx %arg9[%add3A_121, %and3A_262] : memref<128x128xf32, #tpu.memory_space<vmem>>[vector<16xi32>, vector<16xi32>], vector<16xf32>,
        %gather3A_264 = tpu.vector_load_idx %arg12[%add3A_121, %and3A_262] : memref<128x128xf32, #tpu.memory_space<vmem>>[vector<16xi32>, vector<16xi32>], vector<16xf32>,
        %mul3A_265 = arith.mulf %gather3A_263, %gather3A_264 : vector<16xf32>
        %add3A_266 = arith.addf %add3A_186, %mul3A_265 : vector<16xf32>
        %add3A_267 = arith.constant 10 : i32
        %add3A_268 = vector.broadcast %add3A_267 : i32 to vector<16xi32>
        %add3A_269 = arith.addi %add3A_168, %add3A_268 : vector<16xi32>
        %and3A_270 = arith.constant 127 : i32
        %and3A_271 = vector.broadcast %and3A_270 : i32 to vector<16xi32>
        %and3A_272 = arith.andi %add3A_269, %and3A_271 : vector<16xi32>
        %gather3A_273 = tpu.vector_load_idx %arg9[%add3A_121, %and3A_272] : memref<128x128xf32, #tpu.memory_space<vmem>>[vector<16xi32>, vector<16xi32>], vector<16xf32>,
        %gather3A_274 = tpu.vector_load_idx %arg12[%add3A_121, %and3A_272] : memref<128x128xf32, #tpu.memory_space<vmem>>[vector<16xi32>, vector<16xi32>], vector<16xf32>,
        %mul3A_275 = arith.mulf %gather3A_273, %gather3A_274 : vector<16xf32>
        %add3A_276 = arith.addf %add3A_196, %mul3A_275 : vector<16xf32>
        %add3A_277 = arith.constant 11 : i32
        %add3A_278 = vector.broadcast %add3A_277 : i32 to vector<16xi32>
        %add3A_279 = arith.addi %add3A_168, %add3A_278 : vector<16xi32>
        %and3A_280 = arith.constant 127 : i32
        %and3A_281 = vector.broadcast %and3A_280 : i32 to vector<16xi32>
        %and3A_282 = arith.andi %add3A_279, %and3A_281 : vector<16xi32>
        %gather3A_283 = tpu.vector_load_idx %arg9[%add3A_121, %and3A_282] : memref<128x128xf32, #tpu.memory_space<vmem>>[vector<16xi32>, vector<16xi32>], vector<16xf32>,
        %gather3A_284 = tpu.vector_load_idx %arg12[%add3A_121, %and3A_282] : memref<128x128xf32, #tpu.memory_space<vmem>>[vector<16xi32>, vector<16xi32>], vector<16xf32>,
        %mul3A_285 = arith.mulf %gather3A_283, %gather3A_284 : vector<16xf32>
        %add3A_286 = arith.addf %add3A_206, %mul3A_285 : vector<16xf32>
        %add3A_287 = arith.constant 12 : i32
        %add3A_288 = vector.broadcast %add3A_287 : i32 to vector<16xi32>
        %add3A_289 = arith.addi %add3A_168, %add3A_288 : vector<16xi32>
        %and3A_290 = arith.constant 127 : i32
        %and3A_291 = vector.broadcast %and3A_290 : i32 to vector<16xi32>
        %and3A_292 = arith.andi %add3A_289, %and3A_291 : vector<16xi32>
        %gather3A_293 = tpu.vector_load_idx %arg9[%add3A_121, %and3A_292] : memref<128x128xf32, #tpu.memory_space<vmem>>[vector<16xi32>, vector<16xi32>], vector<16xf32>,
        %gather3A_294 = tpu.vector_load_idx %arg12[%add3A_121, %and3A_292] : memref<128x128xf32, #tpu.memory_space<vmem>>[vector<16xi32>, vector<16xi32>], vector<16xf32>,
        %mul3A_295 = arith.mulf %gather3A_293, %gather3A_294 : vector<16xf32>
        %add3A_296 = arith.addf %add3A_216, %mul3A_295 : vector<16xf32>
        %add3A_297 = arith.constant 13 : i32
        %add3A_298 = vector.broadcast %add3A_297 : i32 to vector<16xi32>
        %add3A_299 = arith.addi %add3A_168, %add3A_298 : vector<16xi32>
        %and3A_300 = arith.constant 127 : i32
        %and3A_301 = vector.broadcast %and3A_300 : i32 to vector<16xi32>
        %and3A_302 = arith.andi %add3A_299, %and3A_301 : vector<16xi32>
        %gather3A_303 = tpu.vector_load_idx %arg9[%add3A_121, %and3A_302] : memref<128x128xf32, #tpu.memory_space<vmem>>[vector<16xi32>, vector<16xi32>], vector<16xf32>,
        %gather3A_304 = tpu.vector_load_idx %arg12[%add3A_121, %and3A_302] : memref<128x128xf32, #tpu.memory_space<vmem>>[vector<16xi32>, vector<16xi32>], vector<16xf32>,
        %mul3A_305 = arith.mulf %gather3A_303, %gather3A_304 : vector<16xf32>
        %add3A_306 = arith.addf %add3A_226, %mul3A_305 : vector<16xf32>
        %add3A_307 = arith.constant 14 : i32
        %add3A_308 = vector.broadcast %add3A_307 : i32 to vector<16xi32>
        %add3A_309 = arith.addi %add3A_168, %add3A_308 : vector<16xi32>
        %and3A_310 = arith.constant 127 : i32
        %and3A_311 = vector.broadcast %and3A_310 : i32 to vector<16xi32>
        %and3A_312 = arith.andi %add3A_309, %and3A_311 : vector<16xi32>
        %gather3A_313 = tpu.vector_load_idx %arg9[%add3A_121, %and3A_312] : memref<128x128xf32, #tpu.memory_space<vmem>>[vector<16xi32>, vector<16xi32>], vector<16xf32>,
        %gather3A_314 = tpu.vector_load_idx %arg12[%add3A_121, %and3A_312] : memref<128x128xf32, #tpu.memory_space<vmem>>[vector<16xi32>, vector<16xi32>], vector<16xf32>,
        %mul3A_315 = arith.mulf %gather3A_313, %gather3A_314 : vector<16xf32>
        %add3A_316 = arith.addf %add3A_236, %mul3A_315 : vector<16xf32>
        %add3A_317 = arith.constant 15 : i32
        %add3A_318 = vector.broadcast %add3A_317 : i32 to vector<16xi32>
        %add3A_319 = arith.addi %add3A_168, %add3A_318 : vector<16xi32>
        %and3A_320 = arith.constant 127 : i32
        %and3A_321 = vector.broadcast %and3A_320 : i32 to vector<16xi32>
        %and3A_322 = arith.andi %add3A_319, %and3A_321 : vector<16xi32>
        %gather3A_323 = tpu.vector_load_idx %arg9[%add3A_121, %and3A_322] : memref<128x128xf32, #tpu.memory_space<vmem>>[vector<16xi32>, vector<16xi32>], vector<16xf32>,
        %gather3A_324 = tpu.vector_load_idx %arg12[%add3A_121, %and3A_322] : memref<128x128xf32, #tpu.memory_space<vmem>>[vector<16xi32>, vector<16xi32>], vector<16xf32>,
        %mul3A_325 = arith.mulf %gather3A_323, %gather3A_324 : vector<16xf32>
        %add3A_326 = arith.addf %add3A_246, %mul3A_325 : vector<16xf32>
        scf.yield %add3A_256, %add3A_266, %add3A_276, %add3A_286, %add3A_296, %add3A_306, %add3A_316, %add3A_326 : vector<16xf32>, vector<16xf32>, vector<16xf32>, vector<16xf32>, vector<16xf32>, vector<16xf32>, vector<16xf32>, vector<16xf32>
      }
      %scan3A_142 = arith.constant 8 : i32
      %add3A_143 = arith.addf %scan3A_141#0, %scan3A_141#1 : vector<16xf32>
      %add3A_144 = arith.addf %scan3A_141#2, %scan3A_141#3 : vector<16xf32>
      %add3A_145 = arith.addf %scan3A_141#4, %scan3A_141#5 : vector<16xf32>
      %add3A_146 = arith.addf %scan3A_141#6, %scan3A_141#7 : vector<16xf32>
      %add3A_147 = arith.addf %add3A_143, %add3A_144 : vector<16xf32>
      %add3A_148 = arith.addf %add3A_145, %add3A_146 : vector<16xf32>
      %add3A_149 = arith.addf %add3A_147, %add3A_148 : vector<16xf32>
      %mul3A_150 = arith.constant 16 : i32
      %mul3A_151 = arith.muli %scan3A_116, %mul3A_150 : i32
      %add3A_152 = arith.constant 0 : i32
      %add3A_153 = arith.addi %add3A_152, %mul3A_151 : i32
      %swap3A = arith.index_cast %add3A_153 : i32 to index
      %swap3A_154 = tpu.vector_load %arg15[%swap3A] {strides = array<i32>} : memref<512xf32, #tpu.memory_space<vmem>>, vector<16xf32>,
      tpu.vector_store %arg15[%swap3A], %add3A_149 {strides = array<i32>} : memref<512xf32, #tpu.memory_space<vmem>>, vector<16xf32>,
      %scan3A_155 = arith.constant 0 : i32
      scf.yield %scan3A_155 : i32
    }
    %scan3A_54 = arith.constant 8 : i32
    %dma_start3A_55 = arith.constant 384 : i32
    %dma_start3A_56 = tpu.memref_slice %arg7[%dma_start3A_55] : memref<512xi32, #tpu.memory_space<vmem>> -> memref<128xi32, #tpu.memory_space<vmem>>
    %dma_start3A_57 = arith.constant 0 : i32
    %dma_start3A_58 = arith.constant 0 : i32
    %dma_start3A_59 = tpu.memref_slice %arg4[%dma_start3A_57, %dma_start3A_58] : memref<100000x128xf32, #tpu.memory_space<hbm>> -> memref<100000x128xf32, #tpu.memory_space<hbm>>
    tpu.enqueue_indirect_dma source(%dma_start3A_59 : memref<100000x128xf32, #tpu.memory_space<hbm>>) target(%arg9 : memref<128x128xf32, #tpu.memory_space<vmem>>) offsets(%dma_start3A_56 : memref<128xi32, #tpu.memory_space<vmem>>) semaphore(%arg16 : memref<!tpu.dma_semaphore, #tpu.memory_space<semaphore_mem>>)
    %dma_start3A_60 = arith.constant 384 : i32
    %dma_start3A_61 = tpu.memref_slice %arg8[%dma_start3A_60] : memref<512xi32, #tpu.memory_space<vmem>> -> memref<128xi32, #tpu.memory_space<vmem>>
    %dma_start3A_62 = arith.constant 0 : i32
    %dma_start3A_63 = arith.constant 0 : i32
    %dma_start3A_64 = tpu.memref_slice %arg5[%dma_start3A_62, %dma_start3A_63] : memref<1000000x128xf32, #tpu.memory_space<hbm>> -> memref<1000000x128xf32, #tpu.memory_space<hbm>>
    tpu.enqueue_indirect_dma source(%dma_start3A_64 : memref<1000000x128xf32, #tpu.memory_space<hbm>>) target(%arg12 : memref<128x128xf32, #tpu.memory_space<vmem>>) offsets(%dma_start3A_61 : memref<128xi32, #tpu.memory_space<vmem>>) semaphore(%arg19 : memref<!tpu.dma_semaphore, #tpu.memory_space<semaphore_mem>>)
    %dma_wait3A_65 = arith.constant 128 : i32
    %dma_wait3A_66 = tpu.memref_slice %arg7[%dma_wait3A_65] : memref<512xi32, #tpu.memory_space<vmem>> -> memref<128xi32, #tpu.memory_space<vmem>>
    %dma_wait3A_67 = arith.constant 0 : i32
    %dma_wait3A_68 = arith.constant 0 : i32
    %dma_wait3A_69 = tpu.memref_slice %arg4[%dma_wait3A_67, %dma_wait3A_68] : memref<100000x128xf32, #tpu.memory_space<hbm>> -> memref<100000x128xf32, #tpu.memory_space<hbm>>
    tpu.wait_indirect_dma semaphore(%arg17 : memref<!tpu.dma_semaphore, #tpu.memory_space<semaphore_mem>>) src(%dma_wait3A_69 : memref<100000x128xf32, #tpu.memory_space<hbm>>) dst(%arg10 : memref<128x128xf32, #tpu.memory_space<vmem>>)
    %dma_wait3A_70 = arith.constant 128 : i32
    %dma_wait3A_71 = tpu.memref_slice %arg8[%dma_wait3A_70] : memref<512xi32, #tpu.memory_space<vmem>> -> memref<128xi32, #tpu.memory_space<vmem>>
    %dma_wait3A_72 = arith.constant 0 : i32
    %dma_wait3A_73 = arith.constant 0 : i32
    %dma_wait3A_74 = tpu.memref_slice %arg5[%dma_wait3A_72, %dma_wait3A_73] : memref<1000000x128xf32, #tpu.memory_space<hbm>> -> memref<1000000x128xf32, #tpu.memory_space<hbm>>
    tpu.wait_indirect_dma semaphore(%arg20 : memref<!tpu.dma_semaphore, #tpu.memory_space<semaphore_mem>>) src(%dma_wait3A_74 : memref<1000000x128xf32, #tpu.memory_space<hbm>>) dst(%arg13 : memref<128x128xf32, #tpu.memory_space<vmem>>)
    %scan3A_75 = arith.constant 0 : i32
    %scan3A_76 = arith.constant 0 : i32
    %scan3A_77 = arith.constant 8 : i32
    %scan3A_78 = arith.addi %scan3A_76, %scan3A_77 : i32
    %scan3A_79 = arith.constant 1 : i32
    %scan3A_80 = scf.for %scan3A_116 = %scan3A_76 to %scan3A_78 step %scan3A_79 iter_args(%scan3A_117 = %scan3A_75) -> (i32)  : i32 {
      %mul3A_118 = arith.constant 16 : i32
      %mul3A_119 = arith.muli %scan3A_116, %mul3A_118 : i32
      %add3A_120 = vector.broadcast %mul3A_119 : i32 to vector<16xi32>
      %add3A_121 = arith.addi %iota3A, %add3A_120 : vector<16xi32>
      %broadcast_in_dim3A = arith.constant 0.000000e+00 : f32
      %broadcast_in_dim3A_122 = vector.broadcast %broadcast_in_dim3A : f32 to vector<16xf32>
      %broadcast_in_dim3A_123 = arith.constant 0.000000e+00 : f32
      %broadcast_in_dim3A_124 = vector.broadcast %broadcast_in_dim3A_123 : f32 to vector<16xf32>
      %broadcast_in_dim3A_125 = arith.constant 0.000000e+00 : f32
      %broadcast_in_dim3A_126 = vector.broadcast %broadcast_in_dim3A_125 : f32 to vector<16xf32>
      %broadcast_in_dim3A_127 = arith.constant 0.000000e+00 : f32
      %broadcast_in_dim3A_128 = vector.broadcast %broadcast_in_dim3A_127 : f32 to vector<16xf32>
      %broadcast_in_dim3A_129 = arith.constant 0.000000e+00 : f32
      %broadcast_in_dim3A_130 = vector.broadcast %broadcast_in_dim3A_129 : f32 to vector<16xf32>
      %broadcast_in_dim3A_131 = arith.constant 0.000000e+00 : f32
      %broadcast_in_dim3A_132 = vector.broadcast %broadcast_in_dim3A_131 : f32 to vector<16xf32>
      %broadcast_in_dim3A_133 = arith.constant 0.000000e+00 : f32
      %broadcast_in_dim3A_134 = vector.broadcast %broadcast_in_dim3A_133 : f32 to vector<16xf32>
      %broadcast_in_dim3A_135 = arith.constant 0.000000e+00 : f32
      %broadcast_in_dim3A_136 = vector.broadcast %broadcast_in_dim3A_135 : f32 to vector<16xf32>
      %scan3A_137 = arith.constant 0 : i32
      %scan3A_138 = arith.constant 8 : i32
      %scan3A_139 = arith.addi %scan3A_137, %scan3A_138 : i32
      %scan3A_140 = arith.constant 1 : i32
      %scan3A_141:8 = scf.for %scan3A_156 = %scan3A_137 to %scan3A_139 step %scan3A_140 iter_args(%scan3A_157 = %broadcast_in_dim3A_122, %scan3A_158 = %broadcast_in_dim3A_124, %scan3A_159 = %broadcast_in_dim3A_126, %scan3A_160 = %broadcast_in_dim3A_128, %scan3A_161 = %broadcast_in_dim3A_130, %scan3A_162 = %broadcast_in_dim3A_132, %scan3A_163 = %broadcast_in_dim3A_134, %scan3A_164 = %broadcast_in_dim3A_136) -> (vector<16xf32>, vector<16xf32>, vector<16xf32>, vector<16xf32>, vector<16xf32>, vector<16xf32>, vector<16xf32>, vector<16xf32>)  : i32 {
        %mul3A_165 = arith.constant 16 : i32
        %mul3A_166 = arith.muli %scan3A_156, %mul3A_165 : i32
        %add3A_167 = vector.broadcast %mul3A_166 : i32 to vector<16xi32>
        %add3A_168 = arith.addi %iota3A, %add3A_167 : vector<16xi32>
        %add3A_169 = arith.constant 0 : i32
        %add3A_170 = vector.broadcast %add3A_169 : i32 to vector<16xi32>
        %add3A_171 = arith.addi %add3A_168, %add3A_170 : vector<16xi32>
        %and3A = arith.constant 127 : i32
        %and3A_172 = vector.broadcast %and3A : i32 to vector<16xi32>
        %and3A_173 = arith.andi %add3A_171, %and3A_172 : vector<16xi32>
        %gather3A = tpu.vector_load_idx %arg10[%add3A_121, %and3A_173] : memref<128x128xf32, #tpu.memory_space<vmem>>[vector<16xi32>, vector<16xi32>], vector<16xf32>,
        %gather3A_174 = tpu.vector_load_idx %arg13[%add3A_121, %and3A_173] : memref<128x128xf32, #tpu.memory_space<vmem>>[vector<16xi32>, vector<16xi32>], vector<16xf32>,
        %mul3A_175 = arith.mulf %gather3A, %gather3A_174 : vector<16xf32>
        %add3A_176 = arith.addf %scan3A_157, %mul3A_175 : vector<16xf32>
        %add3A_177 = arith.constant 1 : i32
        %add3A_178 = vector.broadcast %add3A_177 : i32 to vector<16xi32>
        %add3A_179 = arith.addi %add3A_168, %add3A_178 : vector<16xi32>
        %and3A_180 = arith.constant 127 : i32
        %and3A_181 = vector.broadcast %and3A_180 : i32 to vector<16xi32>
        %and3A_182 = arith.andi %add3A_179, %and3A_181 : vector<16xi32>
        %gather3A_183 = tpu.vector_load_idx %arg10[%add3A_121, %and3A_182] : memref<128x128xf32, #tpu.memory_space<vmem>>[vector<16xi32>, vector<16xi32>], vector<16xf32>,
        %gather3A_184 = tpu.vector_load_idx %arg13[%add3A_121, %and3A_182] : memref<128x128xf32, #tpu.memory_space<vmem>>[vector<16xi32>, vector<16xi32>], vector<16xf32>,
        %mul3A_185 = arith.mulf %gather3A_183, %gather3A_184 : vector<16xf32>
        %add3A_186 = arith.addf %scan3A_158, %mul3A_185 : vector<16xf32>
        %add3A_187 = arith.constant 2 : i32
        %add3A_188 = vector.broadcast %add3A_187 : i32 to vector<16xi32>
        %add3A_189 = arith.addi %add3A_168, %add3A_188 : vector<16xi32>
        %and3A_190 = arith.constant 127 : i32
        %and3A_191 = vector.broadcast %and3A_190 : i32 to vector<16xi32>
        %and3A_192 = arith.andi %add3A_189, %and3A_191 : vector<16xi32>
        %gather3A_193 = tpu.vector_load_idx %arg10[%add3A_121, %and3A_192] : memref<128x128xf32, #tpu.memory_space<vmem>>[vector<16xi32>, vector<16xi32>], vector<16xf32>,
        %gather3A_194 = tpu.vector_load_idx %arg13[%add3A_121, %and3A_192] : memref<128x128xf32, #tpu.memory_space<vmem>>[vector<16xi32>, vector<16xi32>], vector<16xf32>,
        %mul3A_195 = arith.mulf %gather3A_193, %gather3A_194 : vector<16xf32>
        %add3A_196 = arith.addf %scan3A_159, %mul3A_195 : vector<16xf32>
        %add3A_197 = arith.constant 3 : i32
        %add3A_198 = vector.broadcast %add3A_197 : i32 to vector<16xi32>
        %add3A_199 = arith.addi %add3A_168, %add3A_198 : vector<16xi32>
        %and3A_200 = arith.constant 127 : i32
        %and3A_201 = vector.broadcast %and3A_200 : i32 to vector<16xi32>
        %and3A_202 = arith.andi %add3A_199, %and3A_201 : vector<16xi32>
        %gather3A_203 = tpu.vector_load_idx %arg10[%add3A_121, %and3A_202] : memref<128x128xf32, #tpu.memory_space<vmem>>[vector<16xi32>, vector<16xi32>], vector<16xf32>,
        %gather3A_204 = tpu.vector_load_idx %arg13[%add3A_121, %and3A_202] : memref<128x128xf32, #tpu.memory_space<vmem>>[vector<16xi32>, vector<16xi32>], vector<16xf32>,
        %mul3A_205 = arith.mulf %gather3A_203, %gather3A_204 : vector<16xf32>
        %add3A_206 = arith.addf %scan3A_160, %mul3A_205 : vector<16xf32>
        %add3A_207 = arith.constant 4 : i32
        %add3A_208 = vector.broadcast %add3A_207 : i32 to vector<16xi32>
        %add3A_209 = arith.addi %add3A_168, %add3A_208 : vector<16xi32>
        %and3A_210 = arith.constant 127 : i32
        %and3A_211 = vector.broadcast %and3A_210 : i32 to vector<16xi32>
        %and3A_212 = arith.andi %add3A_209, %and3A_211 : vector<16xi32>
        %gather3A_213 = tpu.vector_load_idx %arg10[%add3A_121, %and3A_212] : memref<128x128xf32, #tpu.memory_space<vmem>>[vector<16xi32>, vector<16xi32>], vector<16xf32>,
        %gather3A_214 = tpu.vector_load_idx %arg13[%add3A_121, %and3A_212] : memref<128x128xf32, #tpu.memory_space<vmem>>[vector<16xi32>, vector<16xi32>], vector<16xf32>,
        %mul3A_215 = arith.mulf %gather3A_213, %gather3A_214 : vector<16xf32>
        %add3A_216 = arith.addf %scan3A_161, %mul3A_215 : vector<16xf32>
        %add3A_217 = arith.constant 5 : i32
        %add3A_218 = vector.broadcast %add3A_217 : i32 to vector<16xi32>
        %add3A_219 = arith.addi %add3A_168, %add3A_218 : vector<16xi32>
        %and3A_220 = arith.constant 127 : i32
        %and3A_221 = vector.broadcast %and3A_220 : i32 to vector<16xi32>
        %and3A_222 = arith.andi %add3A_219, %and3A_221 : vector<16xi32>
        %gather3A_223 = tpu.vector_load_idx %arg10[%add3A_121, %and3A_222] : memref<128x128xf32, #tpu.memory_space<vmem>>[vector<16xi32>, vector<16xi32>], vector<16xf32>,
        %gather3A_224 = tpu.vector_load_idx %arg13[%add3A_121, %and3A_222] : memref<128x128xf32, #tpu.memory_space<vmem>>[vector<16xi32>, vector<16xi32>], vector<16xf32>,
        %mul3A_225 = arith.mulf %gather3A_223, %gather3A_224 : vector<16xf32>
        %add3A_226 = arith.addf %scan3A_162, %mul3A_225 : vector<16xf32>
        %add3A_227 = arith.constant 6 : i32
        %add3A_228 = vector.broadcast %add3A_227 : i32 to vector<16xi32>
        %add3A_229 = arith.addi %add3A_168, %add3A_228 : vector<16xi32>
        %and3A_230 = arith.constant 127 : i32
        %and3A_231 = vector.broadcast %and3A_230 : i32 to vector<16xi32>
        %and3A_232 = arith.andi %add3A_229, %and3A_231 : vector<16xi32>
        %gather3A_233 = tpu.vector_load_idx %arg10[%add3A_121, %and3A_232] : memref<128x128xf32, #tpu.memory_space<vmem>>[vector<16xi32>, vector<16xi32>], vector<16xf32>,
        %gather3A_234 = tpu.vector_load_idx %arg13[%add3A_121, %and3A_232] : memref<128x128xf32, #tpu.memory_space<vmem>>[vector<16xi32>, vector<16xi32>], vector<16xf32>,
        %mul3A_235 = arith.mulf %gather3A_233, %gather3A_234 : vector<16xf32>
        %add3A_236 = arith.addf %scan3A_163, %mul3A_235 : vector<16xf32>
        %add3A_237 = arith.constant 7 : i32
        %add3A_238 = vector.broadcast %add3A_237 : i32 to vector<16xi32>
        %add3A_239 = arith.addi %add3A_168, %add3A_238 : vector<16xi32>
        %and3A_240 = arith.constant 127 : i32
        %and3A_241 = vector.broadcast %and3A_240 : i32 to vector<16xi32>
        %and3A_242 = arith.andi %add3A_239, %and3A_241 : vector<16xi32>
        %gather3A_243 = tpu.vector_load_idx %arg10[%add3A_121, %and3A_242] : memref<128x128xf32, #tpu.memory_space<vmem>>[vector<16xi32>, vector<16xi32>], vector<16xf32>,
        %gather3A_244 = tpu.vector_load_idx %arg13[%add3A_121, %and3A_242] : memref<128x128xf32, #tpu.memory_space<vmem>>[vector<16xi32>, vector<16xi32>], vector<16xf32>,
        %mul3A_245 = arith.mulf %gather3A_243, %gather3A_244 : vector<16xf32>
        %add3A_246 = arith.addf %scan3A_164, %mul3A_245 : vector<16xf32>
        %add3A_247 = arith.constant 8 : i32
        %add3A_248 = vector.broadcast %add3A_247 : i32 to vector<16xi32>
        %add3A_249 = arith.addi %add3A_168, %add3A_248 : vector<16xi32>
        %and3A_250 = arith.constant 127 : i32
        %and3A_251 = vector.broadcast %and3A_250 : i32 to vector<16xi32>
        %and3A_252 = arith.andi %add3A_249, %and3A_251 : vector<16xi32>
        %gather3A_253 = tpu.vector_load_idx %arg10[%add3A_121, %and3A_252] : memref<128x128xf32, #tpu.memory_space<vmem>>[vector<16xi32>, vector<16xi32>], vector<16xf32>,
        %gather3A_254 = tpu.vector_load_idx %arg13[%add3A_121, %and3A_252] : memref<128x128xf32, #tpu.memory_space<vmem>>[vector<16xi32>, vector<16xi32>], vector<16xf32>,
        %mul3A_255 = arith.mulf %gather3A_253, %gather3A_254 : vector<16xf32>
        %add3A_256 = arith.addf %add3A_176, %mul3A_255 : vector<16xf32>
        %add3A_257 = arith.constant 9 : i32
        %add3A_258 = vector.broadcast %add3A_257 : i32 to vector<16xi32>
        %add3A_259 = arith.addi %add3A_168, %add3A_258 : vector<16xi32>
        %and3A_260 = arith.constant 127 : i32
        %and3A_261 = vector.broadcast %and3A_260 : i32 to vector<16xi32>
        %and3A_262 = arith.andi %add3A_259, %and3A_261 : vector<16xi32>
        %gather3A_263 = tpu.vector_load_idx %arg10[%add3A_121, %and3A_262] : memref<128x128xf32, #tpu.memory_space<vmem>>[vector<16xi32>, vector<16xi32>], vector<16xf32>,
        %gather3A_264 = tpu.vector_load_idx %arg13[%add3A_121, %and3A_262] : memref<128x128xf32, #tpu.memory_space<vmem>>[vector<16xi32>, vector<16xi32>], vector<16xf32>,
        %mul3A_265 = arith.mulf %gather3A_263, %gather3A_264 : vector<16xf32>
        %add3A_266 = arith.addf %add3A_186, %mul3A_265 : vector<16xf32>
        %add3A_267 = arith.constant 10 : i32
        %add3A_268 = vector.broadcast %add3A_267 : i32 to vector<16xi32>
        %add3A_269 = arith.addi %add3A_168, %add3A_268 : vector<16xi32>
        %and3A_270 = arith.constant 127 : i32
        %and3A_271 = vector.broadcast %and3A_270 : i32 to vector<16xi32>
        %and3A_272 = arith.andi %add3A_269, %and3A_271 : vector<16xi32>
        %gather3A_273 = tpu.vector_load_idx %arg10[%add3A_121, %and3A_272] : memref<128x128xf32, #tpu.memory_space<vmem>>[vector<16xi32>, vector<16xi32>], vector<16xf32>,
        %gather3A_274 = tpu.vector_load_idx %arg13[%add3A_121, %and3A_272] : memref<128x128xf32, #tpu.memory_space<vmem>>[vector<16xi32>, vector<16xi32>], vector<16xf32>,
        %mul3A_275 = arith.mulf %gather3A_273, %gather3A_274 : vector<16xf32>
        %add3A_276 = arith.addf %add3A_196, %mul3A_275 : vector<16xf32>
        %add3A_277 = arith.constant 11 : i32
        %add3A_278 = vector.broadcast %add3A_277 : i32 to vector<16xi32>
        %add3A_279 = arith.addi %add3A_168, %add3A_278 : vector<16xi32>
        %and3A_280 = arith.constant 127 : i32
        %and3A_281 = vector.broadcast %and3A_280 : i32 to vector<16xi32>
        %and3A_282 = arith.andi %add3A_279, %and3A_281 : vector<16xi32>
        %gather3A_283 = tpu.vector_load_idx %arg10[%add3A_121, %and3A_282] : memref<128x128xf32, #tpu.memory_space<vmem>>[vector<16xi32>, vector<16xi32>], vector<16xf32>,
        %gather3A_284 = tpu.vector_load_idx %arg13[%add3A_121, %and3A_282] : memref<128x128xf32, #tpu.memory_space<vmem>>[vector<16xi32>, vector<16xi32>], vector<16xf32>,
        %mul3A_285 = arith.mulf %gather3A_283, %gather3A_284 : vector<16xf32>
        %add3A_286 = arith.addf %add3A_206, %mul3A_285 : vector<16xf32>
        %add3A_287 = arith.constant 12 : i32
        %add3A_288 = vector.broadcast %add3A_287 : i32 to vector<16xi32>
        %add3A_289 = arith.addi %add3A_168, %add3A_288 : vector<16xi32>
        %and3A_290 = arith.constant 127 : i32
        %and3A_291 = vector.broadcast %and3A_290 : i32 to vector<16xi32>
        %and3A_292 = arith.andi %add3A_289, %and3A_291 : vector<16xi32>
        %gather3A_293 = tpu.vector_load_idx %arg10[%add3A_121, %and3A_292] : memref<128x128xf32, #tpu.memory_space<vmem>>[vector<16xi32>, vector<16xi32>], vector<16xf32>,
        %gather3A_294 = tpu.vector_load_idx %arg13[%add3A_121, %and3A_292] : memref<128x128xf32, #tpu.memory_space<vmem>>[vector<16xi32>, vector<16xi32>], vector<16xf32>,
        %mul3A_295 = arith.mulf %gather3A_293, %gather3A_294 : vector<16xf32>
        %add3A_296 = arith.addf %add3A_216, %mul3A_295 : vector<16xf32>
        %add3A_297 = arith.constant 13 : i32
        %add3A_298 = vector.broadcast %add3A_297 : i32 to vector<16xi32>
        %add3A_299 = arith.addi %add3A_168, %add3A_298 : vector<16xi32>
        %and3A_300 = arith.constant 127 : i32
        %and3A_301 = vector.broadcast %and3A_300 : i32 to vector<16xi32>
        %and3A_302 = arith.andi %add3A_299, %and3A_301 : vector<16xi32>
        %gather3A_303 = tpu.vector_load_idx %arg10[%add3A_121, %and3A_302] : memref<128x128xf32, #tpu.memory_space<vmem>>[vector<16xi32>, vector<16xi32>], vector<16xf32>,
        %gather3A_304 = tpu.vector_load_idx %arg13[%add3A_121, %and3A_302] : memref<128x128xf32, #tpu.memory_space<vmem>>[vector<16xi32>, vector<16xi32>], vector<16xf32>,
        %mul3A_305 = arith.mulf %gather3A_303, %gather3A_304 : vector<16xf32>
        %add3A_306 = arith.addf %add3A_226, %mul3A_305 : vector<16xf32>
        %add3A_307 = arith.constant 14 : i32
        %add3A_308 = vector.broadcast %add3A_307 : i32 to vector<16xi32>
        %add3A_309 = arith.addi %add3A_168, %add3A_308 : vector<16xi32>
        %and3A_310 = arith.constant 127 : i32
        %and3A_311 = vector.broadcast %and3A_310 : i32 to vector<16xi32>
        %and3A_312 = arith.andi %add3A_309, %and3A_311 : vector<16xi32>
        %gather3A_313 = tpu.vector_load_idx %arg10[%add3A_121, %and3A_312] : memref<128x128xf32, #tpu.memory_space<vmem>>[vector<16xi32>, vector<16xi32>], vector<16xf32>,
        %gather3A_314 = tpu.vector_load_idx %arg13[%add3A_121, %and3A_312] : memref<128x128xf32, #tpu.memory_space<vmem>>[vector<16xi32>, vector<16xi32>], vector<16xf32>,
        %mul3A_315 = arith.mulf %gather3A_313, %gather3A_314 : vector<16xf32>
        %add3A_316 = arith.addf %add3A_236, %mul3A_315 : vector<16xf32>
        %add3A_317 = arith.constant 15 : i32
        %add3A_318 = vector.broadcast %add3A_317 : i32 to vector<16xi32>
        %add3A_319 = arith.addi %add3A_168, %add3A_318 : vector<16xi32>
        %and3A_320 = arith.constant 127 : i32
        %and3A_321 = vector.broadcast %and3A_320 : i32 to vector<16xi32>
        %and3A_322 = arith.andi %add3A_319, %and3A_321 : vector<16xi32>
        %gather3A_323 = tpu.vector_load_idx %arg10[%add3A_121, %and3A_322] : memref<128x128xf32, #tpu.memory_space<vmem>>[vector<16xi32>, vector<16xi32>], vector<16xf32>,
        %gather3A_324 = tpu.vector_load_idx %arg13[%add3A_121, %and3A_322] : memref<128x128xf32, #tpu.memory_space<vmem>>[vector<16xi32>, vector<16xi32>], vector<16xf32>,
        %mul3A_325 = arith.mulf %gather3A_323, %gather3A_324 : vector<16xf32>
        %add3A_326 = arith.addf %add3A_246, %mul3A_325 : vector<16xf32>
        scf.yield %add3A_256, %add3A_266, %add3A_276, %add3A_286, %add3A_296, %add3A_306, %add3A_316, %add3A_326 : vector<16xf32>, vector<16xf32>, vector<16xf32>, vector<16xf32>, vector<16xf32>, vector<16xf32>, vector<16xf32>, vector<16xf32>
      }
      %scan3A_142 = arith.constant 8 : i32
      %add3A_143 = arith.addf %scan3A_141#0, %scan3A_141#1 : vector<16xf32>
      %add3A_144 = arith.addf %scan3A_141#2, %scan3A_141#3 : vector<16xf32>
      %add3A_145 = arith.addf %scan3A_141#4, %scan3A_141#5 : vector<16xf32>
      %add3A_146 = arith.addf %scan3A_141#6, %scan3A_141#7 : vector<16xf32>
      %add3A_147 = arith.addf %add3A_143, %add3A_144 : vector<16xf32>
      %add3A_148 = arith.addf %add3A_145, %add3A_146 : vector<16xf32>
      %add3A_149 = arith.addf %add3A_147, %add3A_148 : vector<16xf32>
      %mul3A_150 = arith.constant 16 : i32
      %mul3A_151 = arith.muli %scan3A_116, %mul3A_150 : i32
      %add3A_152 = arith.constant 128 : i32
      %add3A_153 = arith.addi %add3A_152, %mul3A_151 : i32
      %swap3A = arith.index_cast %add3A_153 : i32 to index
      %swap3A_154 = tpu.vector_load %arg15[%swap3A] {strides = array<i32>} : memref<512xf32, #tpu.memory_space<vmem>>, vector<16xf32>,
      tpu.vector_store %arg15[%swap3A], %add3A_149 {strides = array<i32>} : memref<512xf32, #tpu.memory_space<vmem>>, vector<16xf32>,
      %scan3A_155 = arith.constant 0 : i32
      scf.yield %scan3A_155 : i32
    }
    %scan3A_81 = arith.constant 8 : i32
    %dma_wait3A_82 = arith.constant 256 : i32
    %dma_wait3A_83 = tpu.memref_slice %arg7[%dma_wait3A_82] : memref<512xi32, #tpu.memory_space<vmem>> -> memref<128xi32, #tpu.memory_space<vmem>>
    %dma_wait3A_84 = arith.constant 0 : i32
    %dma_wait3A_85 = arith.constant 0 : i32
    %dma_wait3A_86 = tpu.memref_slice %arg4[%dma_wait3A_84, %dma_wait3A_85] : memref<100000x128xf32, #tpu.memory_space<hbm>> -> memref<100000x128xf32, #tpu.memory_space<hbm>>
    tpu.wait_indirect_dma semaphore(%arg18 : memref<!tpu.dma_semaphore, #tpu.memory_space<semaphore_mem>>) src(%dma_wait3A_86 : memref<100000x128xf32, #tpu.memory_space<hbm>>) dst(%arg11 : memref<128x128xf32, #tpu.memory_space<vmem>>)
    %dma_wait3A_87 = arith.constant 256 : i32
    %dma_wait3A_88 = tpu.memref_slice %arg8[%dma_wait3A_87] : memref<512xi32, #tpu.memory_space<vmem>> -> memref<128xi32, #tpu.memory_space<vmem>>
    %dma_wait3A_89 = arith.constant 0 : i32
    %dma_wait3A_90 = arith.constant 0 : i32
    %dma_wait3A_91 = tpu.memref_slice %arg5[%dma_wait3A_89, %dma_wait3A_90] : memref<1000000x128xf32, #tpu.memory_space<hbm>> -> memref<1000000x128xf32, #tpu.memory_space<hbm>>
    tpu.wait_indirect_dma semaphore(%arg21 : memref<!tpu.dma_semaphore, #tpu.memory_space<semaphore_mem>>) src(%dma_wait3A_91 : memref<1000000x128xf32, #tpu.memory_space<hbm>>) dst(%arg14 : memref<128x128xf32, #tpu.memory_space<vmem>>)
    %scan3A_92 = arith.constant 0 : i32
    %scan3A_93 = arith.constant 0 : i32
    %scan3A_94 = arith.constant 8 : i32
    %scan3A_95 = arith.addi %scan3A_93, %scan3A_94 : i32
    %scan3A_96 = arith.constant 1 : i32
    %scan3A_97 = scf.for %scan3A_116 = %scan3A_93 to %scan3A_95 step %scan3A_96 iter_args(%scan3A_117 = %scan3A_92) -> (i32)  : i32 {
      %mul3A_118 = arith.constant 16 : i32
      %mul3A_119 = arith.muli %scan3A_116, %mul3A_118 : i32
      %add3A_120 = vector.broadcast %mul3A_119 : i32 to vector<16xi32>
      %add3A_121 = arith.addi %iota3A, %add3A_120 : vector<16xi32>
      %broadcast_in_dim3A = arith.constant 0.000000e+00 : f32
      %broadcast_in_dim3A_122 = vector.broadcast %broadcast_in_dim3A : f32 to vector<16xf32>
      %broadcast_in_dim3A_123 = arith.constant 0.000000e+00 : f32
      %broadcast_in_dim3A_124 = vector.broadcast %broadcast_in_dim3A_123 : f32 to vector<16xf32>
      %broadcast_in_dim3A_125 = arith.constant 0.000000e+00 : f32
      %broadcast_in_dim3A_126 = vector.broadcast %broadcast_in_dim3A_125 : f32 to vector<16xf32>
      %broadcast_in_dim3A_127 = arith.constant 0.000000e+00 : f32
      %broadcast_in_dim3A_128 = vector.broadcast %broadcast_in_dim3A_127 : f32 to vector<16xf32>
      %broadcast_in_dim3A_129 = arith.constant 0.000000e+00 : f32
      %broadcast_in_dim3A_130 = vector.broadcast %broadcast_in_dim3A_129 : f32 to vector<16xf32>
      %broadcast_in_dim3A_131 = arith.constant 0.000000e+00 : f32
      %broadcast_in_dim3A_132 = vector.broadcast %broadcast_in_dim3A_131 : f32 to vector<16xf32>
      %broadcast_in_dim3A_133 = arith.constant 0.000000e+00 : f32
      %broadcast_in_dim3A_134 = vector.broadcast %broadcast_in_dim3A_133 : f32 to vector<16xf32>
      %broadcast_in_dim3A_135 = arith.constant 0.000000e+00 : f32
      %broadcast_in_dim3A_136 = vector.broadcast %broadcast_in_dim3A_135 : f32 to vector<16xf32>
      %scan3A_137 = arith.constant 0 : i32
      %scan3A_138 = arith.constant 8 : i32
      %scan3A_139 = arith.addi %scan3A_137, %scan3A_138 : i32
      %scan3A_140 = arith.constant 1 : i32
      %scan3A_141:8 = scf.for %scan3A_156 = %scan3A_137 to %scan3A_139 step %scan3A_140 iter_args(%scan3A_157 = %broadcast_in_dim3A_122, %scan3A_158 = %broadcast_in_dim3A_124, %scan3A_159 = %broadcast_in_dim3A_126, %scan3A_160 = %broadcast_in_dim3A_128, %scan3A_161 = %broadcast_in_dim3A_130, %scan3A_162 = %broadcast_in_dim3A_132, %scan3A_163 = %broadcast_in_dim3A_134, %scan3A_164 = %broadcast_in_dim3A_136) -> (vector<16xf32>, vector<16xf32>, vector<16xf32>, vector<16xf32>, vector<16xf32>, vector<16xf32>, vector<16xf32>, vector<16xf32>)  : i32 {
        %mul3A_165 = arith.constant 16 : i32
        %mul3A_166 = arith.muli %scan3A_156, %mul3A_165 : i32
        %add3A_167 = vector.broadcast %mul3A_166 : i32 to vector<16xi32>
        %add3A_168 = arith.addi %iota3A, %add3A_167 : vector<16xi32>
        %add3A_169 = arith.constant 0 : i32
        %add3A_170 = vector.broadcast %add3A_169 : i32 to vector<16xi32>
        %add3A_171 = arith.addi %add3A_168, %add3A_170 : vector<16xi32>
        %and3A = arith.constant 127 : i32
        %and3A_172 = vector.broadcast %and3A : i32 to vector<16xi32>
        %and3A_173 = arith.andi %add3A_171, %and3A_172 : vector<16xi32>
        %gather3A = tpu.vector_load_idx %arg11[%add3A_121, %and3A_173] : memref<128x128xf32, #tpu.memory_space<vmem>>[vector<16xi32>, vector<16xi32>], vector<16xf32>,
        %gather3A_174 = tpu.vector_load_idx %arg14[%add3A_121, %and3A_173] : memref<128x128xf32, #tpu.memory_space<vmem>>[vector<16xi32>, vector<16xi32>], vector<16xf32>,
        %mul3A_175 = arith.mulf %gather3A, %gather3A_174 : vector<16xf32>
        %add3A_176 = arith.addf %scan3A_157, %mul3A_175 : vector<16xf32>
        %add3A_177 = arith.constant 1 : i32
        %add3A_178 = vector.broadcast %add3A_177 : i32 to vector<16xi32>
        %add3A_179 = arith.addi %add3A_168, %add3A_178 : vector<16xi32>
        %and3A_180 = arith.constant 127 : i32
        %and3A_181 = vector.broadcast %and3A_180 : i32 to vector<16xi32>
        %and3A_182 = arith.andi %add3A_179, %and3A_181 : vector<16xi32>
        %gather3A_183 = tpu.vector_load_idx %arg11[%add3A_121, %and3A_182] : memref<128x128xf32, #tpu.memory_space<vmem>>[vector<16xi32>, vector<16xi32>], vector<16xf32>,
        %gather3A_184 = tpu.vector_load_idx %arg14[%add3A_121, %and3A_182] : memref<128x128xf32, #tpu.memory_space<vmem>>[vector<16xi32>, vector<16xi32>], vector<16xf32>,
        %mul3A_185 = arith.mulf %gather3A_183, %gather3A_184 : vector<16xf32>
        %add3A_186 = arith.addf %scan3A_158, %mul3A_185 : vector<16xf32>
        %add3A_187 = arith.constant 2 : i32
        %add3A_188 = vector.broadcast %add3A_187 : i32 to vector<16xi32>
        %add3A_189 = arith.addi %add3A_168, %add3A_188 : vector<16xi32>
        %and3A_190 = arith.constant 127 : i32
        %and3A_191 = vector.broadcast %and3A_190 : i32 to vector<16xi32>
        %and3A_192 = arith.andi %add3A_189, %and3A_191 : vector<16xi32>
        %gather3A_193 = tpu.vector_load_idx %arg11[%add3A_121, %and3A_192] : memref<128x128xf32, #tpu.memory_space<vmem>>[vector<16xi32>, vector<16xi32>], vector<16xf32>,
        %gather3A_194 = tpu.vector_load_idx %arg14[%add3A_121, %and3A_192] : memref<128x128xf32, #tpu.memory_space<vmem>>[vector<16xi32>, vector<16xi32>], vector<16xf32>,
        %mul3A_195 = arith.mulf %gather3A_193, %gather3A_194 : vector<16xf32>
        %add3A_196 = arith.addf %scan3A_159, %mul3A_195 : vector<16xf32>
        %add3A_197 = arith.constant 3 : i32
        %add3A_198 = vector.broadcast %add3A_197 : i32 to vector<16xi32>
        %add3A_199 = arith.addi %add3A_168, %add3A_198 : vector<16xi32>
        %and3A_200 = arith.constant 127 : i32
        %and3A_201 = vector.broadcast %and3A_200 : i32 to vector<16xi32>
        %and3A_202 = arith.andi %add3A_199, %and3A_201 : vector<16xi32>
        %gather3A_203 = tpu.vector_load_idx %arg11[%add3A_121, %and3A_202] : memref<128x128xf32, #tpu.memory_space<vmem>>[vector<16xi32>, vector<16xi32>], vector<16xf32>,
        %gather3A_204 = tpu.vector_load_idx %arg14[%add3A_121, %and3A_202] : memref<128x128xf32, #tpu.memory_space<vmem>>[vector<16xi32>, vector<16xi32>], vector<16xf32>,
        %mul3A_205 = arith.mulf %gather3A_203, %gather3A_204 : vector<16xf32>
        %add3A_206 = arith.addf %scan3A_160, %mul3A_205 : vector<16xf32>
        %add3A_207 = arith.constant 4 : i32
        %add3A_208 = vector.broadcast %add3A_207 : i32 to vector<16xi32>
        %add3A_209 = arith.addi %add3A_168, %add3A_208 : vector<16xi32>
        %and3A_210 = arith.constant 127 : i32
        %and3A_211 = vector.broadcast %and3A_210 : i32 to vector<16xi32>
        %and3A_212 = arith.andi %add3A_209, %and3A_211 : vector<16xi32>
        %gather3A_213 = tpu.vector_load_idx %arg11[%add3A_121, %and3A_212] : memref<128x128xf32, #tpu.memory_space<vmem>>[vector<16xi32>, vector<16xi32>], vector<16xf32>,
        %gather3A_214 = tpu.vector_load_idx %arg14[%add3A_121, %and3A_212] : memref<128x128xf32, #tpu.memory_space<vmem>>[vector<16xi32>, vector<16xi32>], vector<16xf32>,
        %mul3A_215 = arith.mulf %gather3A_213, %gather3A_214 : vector<16xf32>
        %add3A_216 = arith.addf %scan3A_161, %mul3A_215 : vector<16xf32>
        %add3A_217 = arith.constant 5 : i32
        %add3A_218 = vector.broadcast %add3A_217 : i32 to vector<16xi32>
        %add3A_219 = arith.addi %add3A_168, %add3A_218 : vector<16xi32>
        %and3A_220 = arith.constant 127 : i32
        %and3A_221 = vector.broadcast %and3A_220 : i32 to vector<16xi32>
        %and3A_222 = arith.andi %add3A_219, %and3A_221 : vector<16xi32>
        %gather3A_223 = tpu.vector_load_idx %arg11[%add3A_121, %and3A_222] : memref<128x128xf32, #tpu.memory_space<vmem>>[vector<16xi32>, vector<16xi32>], vector<16xf32>,
        %gather3A_224 = tpu.vector_load_idx %arg14[%add3A_121, %and3A_222] : memref<128x128xf32, #tpu.memory_space<vmem>>[vector<16xi32>, vector<16xi32>], vector<16xf32>,
        %mul3A_225 = arith.mulf %gather3A_223, %gather3A_224 : vector<16xf32>
        %add3A_226 = arith.addf %scan3A_162, %mul3A_225 : vector<16xf32>
        %add3A_227 = arith.constant 6 : i32
        %add3A_228 = vector.broadcast %add3A_227 : i32 to vector<16xi32>
        %add3A_229 = arith.addi %add3A_168, %add3A_228 : vector<16xi32>
        %and3A_230 = arith.constant 127 : i32
        %and3A_231 = vector.broadcast %and3A_230 : i32 to vector<16xi32>
        %and3A_232 = arith.andi %add3A_229, %and3A_231 : vector<16xi32>
        %gather3A_233 = tpu.vector_load_idx %arg11[%add3A_121, %and3A_232] : memref<128x128xf32, #tpu.memory_space<vmem>>[vector<16xi32>, vector<16xi32>], vector<16xf32>,
        %gather3A_234 = tpu.vector_load_idx %arg14[%add3A_121, %and3A_232] : memref<128x128xf32, #tpu.memory_space<vmem>>[vector<16xi32>, vector<16xi32>], vector<16xf32>,
        %mul3A_235 = arith.mulf %gather3A_233, %gather3A_234 : vector<16xf32>
        %add3A_236 = arith.addf %scan3A_163, %mul3A_235 : vector<16xf32>
        %add3A_237 = arith.constant 7 : i32
        %add3A_238 = vector.broadcast %add3A_237 : i32 to vector<16xi32>
        %add3A_239 = arith.addi %add3A_168, %add3A_238 : vector<16xi32>
        %and3A_240 = arith.constant 127 : i32
        %and3A_241 = vector.broadcast %and3A_240 : i32 to vector<16xi32>
        %and3A_242 = arith.andi %add3A_239, %and3A_241 : vector<16xi32>
        %gather3A_243 = tpu.vector_load_idx %arg11[%add3A_121, %and3A_242] : memref<128x128xf32, #tpu.memory_space<vmem>>[vector<16xi32>, vector<16xi32>], vector<16xf32>,
        %gather3A_244 = tpu.vector_load_idx %arg14[%add3A_121, %and3A_242] : memref<128x128xf32, #tpu.memory_space<vmem>>[vector<16xi32>, vector<16xi32>], vector<16xf32>,
        %mul3A_245 = arith.mulf %gather3A_243, %gather3A_244 : vector<16xf32>
        %add3A_246 = arith.addf %scan3A_164, %mul3A_245 : vector<16xf32>
        %add3A_247 = arith.constant 8 : i32
        %add3A_248 = vector.broadcast %add3A_247 : i32 to vector<16xi32>
        %add3A_249 = arith.addi %add3A_168, %add3A_248 : vector<16xi32>
        %and3A_250 = arith.constant 127 : i32
        %and3A_251 = vector.broadcast %and3A_250 : i32 to vector<16xi32>
        %and3A_252 = arith.andi %add3A_249, %and3A_251 : vector<16xi32>
        %gather3A_253 = tpu.vector_load_idx %arg11[%add3A_121, %and3A_252] : memref<128x128xf32, #tpu.memory_space<vmem>>[vector<16xi32>, vector<16xi32>], vector<16xf32>,
        %gather3A_254 = tpu.vector_load_idx %arg14[%add3A_121, %and3A_252] : memref<128x128xf32, #tpu.memory_space<vmem>>[vector<16xi32>, vector<16xi32>], vector<16xf32>,
        %mul3A_255 = arith.mulf %gather3A_253, %gather3A_254 : vector<16xf32>
        %add3A_256 = arith.addf %add3A_176, %mul3A_255 : vector<16xf32>
        %add3A_257 = arith.constant 9 : i32
        %add3A_258 = vector.broadcast %add3A_257 : i32 to vector<16xi32>
        %add3A_259 = arith.addi %add3A_168, %add3A_258 : vector<16xi32>
        %and3A_260 = arith.constant 127 : i32
        %and3A_261 = vector.broadcast %and3A_260 : i32 to vector<16xi32>
        %and3A_262 = arith.andi %add3A_259, %and3A_261 : vector<16xi32>
        %gather3A_263 = tpu.vector_load_idx %arg11[%add3A_121, %and3A_262] : memref<128x128xf32, #tpu.memory_space<vmem>>[vector<16xi32>, vector<16xi32>], vector<16xf32>,
        %gather3A_264 = tpu.vector_load_idx %arg14[%add3A_121, %and3A_262] : memref<128x128xf32, #tpu.memory_space<vmem>>[vector<16xi32>, vector<16xi32>], vector<16xf32>,
        %mul3A_265 = arith.mulf %gather3A_263, %gather3A_264 : vector<16xf32>
        %add3A_266 = arith.addf %add3A_186, %mul3A_265 : vector<16xf32>
        %add3A_267 = arith.constant 10 : i32
        %add3A_268 = vector.broadcast %add3A_267 : i32 to vector<16xi32>
        %add3A_269 = arith.addi %add3A_168, %add3A_268 : vector<16xi32>
        %and3A_270 = arith.constant 127 : i32
        %and3A_271 = vector.broadcast %and3A_270 : i32 to vector<16xi32>
        %and3A_272 = arith.andi %add3A_269, %and3A_271 : vector<16xi32>
        %gather3A_273 = tpu.vector_load_idx %arg11[%add3A_121, %and3A_272] : memref<128x128xf32, #tpu.memory_space<vmem>>[vector<16xi32>, vector<16xi32>], vector<16xf32>,
        %gather3A_274 = tpu.vector_load_idx %arg14[%add3A_121, %and3A_272] : memref<128x128xf32, #tpu.memory_space<vmem>>[vector<16xi32>, vector<16xi32>], vector<16xf32>,
        %mul3A_275 = arith.mulf %gather3A_273, %gather3A_274 : vector<16xf32>
        %add3A_276 = arith.addf %add3A_196, %mul3A_275 : vector<16xf32>
        %add3A_277 = arith.constant 11 : i32
        %add3A_278 = vector.broadcast %add3A_277 : i32 to vector<16xi32>
        %add3A_279 = arith.addi %add3A_168, %add3A_278 : vector<16xi32>
        %and3A_280 = arith.constant 127 : i32
        %and3A_281 = vector.broadcast %and3A_280 : i32 to vector<16xi32>
        %and3A_282 = arith.andi %add3A_279, %and3A_281 : vector<16xi32>
        %gather3A_283 = tpu.vector_load_idx %arg11[%add3A_121, %and3A_282] : memref<128x128xf32, #tpu.memory_space<vmem>>[vector<16xi32>, vector<16xi32>], vector<16xf32>,
        %gather3A_284 = tpu.vector_load_idx %arg14[%add3A_121, %and3A_282] : memref<128x128xf32, #tpu.memory_space<vmem>>[vector<16xi32>, vector<16xi32>], vector<16xf32>,
        %mul3A_285 = arith.mulf %gather3A_283, %gather3A_284 : vector<16xf32>
        %add3A_286 = arith.addf %add3A_206, %mul3A_285 : vector<16xf32>
        %add3A_287 = arith.constant 12 : i32
        %add3A_288 = vector.broadcast %add3A_287 : i32 to vector<16xi32>
        %add3A_289 = arith.addi %add3A_168, %add3A_288 : vector<16xi32>
        %and3A_290 = arith.constant 127 : i32
        %and3A_291 = vector.broadcast %and3A_290 : i32 to vector<16xi32>
        %and3A_292 = arith.andi %add3A_289, %and3A_291 : vector<16xi32>
        %gather3A_293 = tpu.vector_load_idx %arg11[%add3A_121, %and3A_292] : memref<128x128xf32, #tpu.memory_space<vmem>>[vector<16xi32>, vector<16xi32>], vector<16xf32>,
        %gather3A_294 = tpu.vector_load_idx %arg14[%add3A_121, %and3A_292] : memref<128x128xf32, #tpu.memory_space<vmem>>[vector<16xi32>, vector<16xi32>], vector<16xf32>,
        %mul3A_295 = arith.mulf %gather3A_293, %gather3A_294 : vector<16xf32>
        %add3A_296 = arith.addf %add3A_216, %mul3A_295 : vector<16xf32>
        %add3A_297 = arith.constant 13 : i32
        %add3A_298 = vector.broadcast %add3A_297 : i32 to vector<16xi32>
        %add3A_299 = arith.addi %add3A_168, %add3A_298 : vector<16xi32>
        %and3A_300 = arith.constant 127 : i32
        %and3A_301 = vector.broadcast %and3A_300 : i32 to vector<16xi32>
        %and3A_302 = arith.andi %add3A_299, %and3A_301 : vector<16xi32>
        %gather3A_303 = tpu.vector_load_idx %arg11[%add3A_121, %and3A_302] : memref<128x128xf32, #tpu.memory_space<vmem>>[vector<16xi32>, vector<16xi32>], vector<16xf32>,
        %gather3A_304 = tpu.vector_load_idx %arg14[%add3A_121, %and3A_302] : memref<128x128xf32, #tpu.memory_space<vmem>>[vector<16xi32>, vector<16xi32>], vector<16xf32>,
        %mul3A_305 = arith.mulf %gather3A_303, %gather3A_304 : vector<16xf32>
        %add3A_306 = arith.addf %add3A_226, %mul3A_305 : vector<16xf32>
        %add3A_307 = arith.constant 14 : i32
        %add3A_308 = vector.broadcast %add3A_307 : i32 to vector<16xi32>
        %add3A_309 = arith.addi %add3A_168, %add3A_308 : vector<16xi32>
        %and3A_310 = arith.constant 127 : i32
        %and3A_311 = vector.broadcast %and3A_310 : i32 to vector<16xi32>
        %and3A_312 = arith.andi %add3A_309, %and3A_311 : vector<16xi32>
        %gather3A_313 = tpu.vector_load_idx %arg11[%add3A_121, %and3A_312] : memref<128x128xf32, #tpu.memory_space<vmem>>[vector<16xi32>, vector<16xi32>], vector<16xf32>,
        %gather3A_314 = tpu.vector_load_idx %arg14[%add3A_121, %and3A_312] : memref<128x128xf32, #tpu.memory_space<vmem>>[vector<16xi32>, vector<16xi32>], vector<16xf32>,
        %mul3A_315 = arith.mulf %gather3A_313, %gather3A_314 : vector<16xf32>
        %add3A_316 = arith.addf %add3A_236, %mul3A_315 : vector<16xf32>
        %add3A_317 = arith.constant 15 : i32
        %add3A_318 = vector.broadcast %add3A_317 : i32 to vector<16xi32>
        %add3A_319 = arith.addi %add3A_168, %add3A_318 : vector<16xi32>
        %and3A_320 = arith.constant 127 : i32
        %and3A_321 = vector.broadcast %and3A_320 : i32 to vector<16xi32>
        %and3A_322 = arith.andi %add3A_319, %and3A_321 : vector<16xi32>
        %gather3A_323 = tpu.vector_load_idx %arg11[%add3A_121, %and3A_322] : memref<128x128xf32, #tpu.memory_space<vmem>>[vector<16xi32>, vector<16xi32>], vector<16xf32>,
        %gather3A_324 = tpu.vector_load_idx %arg14[%add3A_121, %and3A_322] : memref<128x128xf32, #tpu.memory_space<vmem>>[vector<16xi32>, vector<16xi32>], vector<16xf32>,
        %mul3A_325 = arith.mulf %gather3A_323, %gather3A_324 : vector<16xf32>
        %add3A_326 = arith.addf %add3A_246, %mul3A_325 : vector<16xf32>
        scf.yield %add3A_256, %add3A_266, %add3A_276, %add3A_286, %add3A_296, %add3A_306, %add3A_316, %add3A_326 : vector<16xf32>, vector<16xf32>, vector<16xf32>, vector<16xf32>, vector<16xf32>, vector<16xf32>, vector<16xf32>, vector<16xf32>
      }
      %scan3A_142 = arith.constant 8 : i32
      %add3A_143 = arith.addf %scan3A_141#0, %scan3A_141#1 : vector<16xf32>
      %add3A_144 = arith.addf %scan3A_141#2, %scan3A_141#3 : vector<16xf32>
      %add3A_145 = arith.addf %scan3A_141#4, %scan3A_141#5 : vector<16xf32>
      %add3A_146 = arith.addf %scan3A_141#6, %scan3A_141#7 : vector<16xf32>
      %add3A_147 = arith.addf %add3A_143, %add3A_144 : vector<16xf32>
      %add3A_148 = arith.addf %add3A_145, %add3A_146 : vector<16xf32>
      %add3A_149 = arith.addf %add3A_147, %add3A_148 : vector<16xf32>
      %mul3A_150 = arith.constant 16 : i32
      %mul3A_151 = arith.muli %scan3A_116, %mul3A_150 : i32
      %add3A_152 = arith.constant 256 : i32
      %add3A_153 = arith.addi %add3A_152, %mul3A_151 : i32
      %swap3A = arith.index_cast %add3A_153 : i32 to index
      %swap3A_154 = tpu.vector_load %arg15[%swap3A] {strides = array<i32>} : memref<512xf32, #tpu.memory_space<vmem>>, vector<16xf32>,
      tpu.vector_store %arg15[%swap3A], %add3A_149 {strides = array<i32>} : memref<512xf32, #tpu.memory_space<vmem>>, vector<16xf32>,
      %scan3A_155 = arith.constant 0 : i32
      scf.yield %scan3A_155 : i32
    }
    %scan3A_98 = arith.constant 8 : i32
    %dma_wait3A_99 = arith.constant 384 : i32
    %dma_wait3A_100 = tpu.memref_slice %arg7[%dma_wait3A_99] : memref<512xi32, #tpu.memory_space<vmem>> -> memref<128xi32, #tpu.memory_space<vmem>>
    %dma_wait3A_101 = arith.constant 0 : i32
    %dma_wait3A_102 = arith.constant 0 : i32
    %dma_wait3A_103 = tpu.memref_slice %arg4[%dma_wait3A_101, %dma_wait3A_102] : memref<100000x128xf32, #tpu.memory_space<hbm>> -> memref<100000x128xf32, #tpu.memory_space<hbm>>
    tpu.wait_indirect_dma semaphore(%arg16 : memref<!tpu.dma_semaphore, #tpu.memory_space<semaphore_mem>>) src(%dma_wait3A_103 : memref<100000x128xf32, #tpu.memory_space<hbm>>) dst(%arg9 : memref<128x128xf32, #tpu.memory_space<vmem>>)
    %dma_wait3A_104 = arith.constant 384 : i32
    %dma_wait3A_105 = tpu.memref_slice %arg8[%dma_wait3A_104] : memref<512xi32, #tpu.memory_space<vmem>> -> memref<128xi32, #tpu.memory_space<vmem>>
    %dma_wait3A_106 = arith.constant 0 : i32
    %dma_wait3A_107 = arith.constant 0 : i32
    %dma_wait3A_108 = tpu.memref_slice %arg5[%dma_wait3A_106, %dma_wait3A_107] : memref<1000000x128xf32, #tpu.memory_space<hbm>> -> memref<1000000x128xf32, #tpu.memory_space<hbm>>
    tpu.wait_indirect_dma semaphore(%arg19 : memref<!tpu.dma_semaphore, #tpu.memory_space<semaphore_mem>>) src(%dma_wait3A_108 : memref<1000000x128xf32, #tpu.memory_space<hbm>>) dst(%arg12 : memref<128x128xf32, #tpu.memory_space<vmem>>)
    %scan3A_109 = arith.constant 0 : i32
    %scan3A_110 = arith.constant 0 : i32
    %scan3A_111 = arith.constant 8 : i32
    %scan3A_112 = arith.addi %scan3A_110, %scan3A_111 : i32
    %scan3A_113 = arith.constant 1 : i32
    %scan3A_114 = scf.for %scan3A_116 = %scan3A_110 to %scan3A_112 step %scan3A_113 iter_args(%scan3A_117 = %scan3A_109) -> (i32)  : i32 {
      %mul3A_118 = arith.constant 16 : i32
      %mul3A_119 = arith.muli %scan3A_116, %mul3A_118 : i32
      %add3A_120 = vector.broadcast %mul3A_119 : i32 to vector<16xi32>
      %add3A_121 = arith.addi %iota3A, %add3A_120 : vector<16xi32>
      %broadcast_in_dim3A = arith.constant 0.000000e+00 : f32
      %broadcast_in_dim3A_122 = vector.broadcast %broadcast_in_dim3A : f32 to vector<16xf32>
      %broadcast_in_dim3A_123 = arith.constant 0.000000e+00 : f32
      %broadcast_in_dim3A_124 = vector.broadcast %broadcast_in_dim3A_123 : f32 to vector<16xf32>
      %broadcast_in_dim3A_125 = arith.constant 0.000000e+00 : f32
      %broadcast_in_dim3A_126 = vector.broadcast %broadcast_in_dim3A_125 : f32 to vector<16xf32>
      %broadcast_in_dim3A_127 = arith.constant 0.000000e+00 : f32
      %broadcast_in_dim3A_128 = vector.broadcast %broadcast_in_dim3A_127 : f32 to vector<16xf32>
      %broadcast_in_dim3A_129 = arith.constant 0.000000e+00 : f32
      %broadcast_in_dim3A_130 = vector.broadcast %broadcast_in_dim3A_129 : f32 to vector<16xf32>
      %broadcast_in_dim3A_131 = arith.constant 0.000000e+00 : f32
      %broadcast_in_dim3A_132 = vector.broadcast %broadcast_in_dim3A_131 : f32 to vector<16xf32>
      %broadcast_in_dim3A_133 = arith.constant 0.000000e+00 : f32
      %broadcast_in_dim3A_134 = vector.broadcast %broadcast_in_dim3A_133 : f32 to vector<16xf32>
      %broadcast_in_dim3A_135 = arith.constant 0.000000e+00 : f32
      %broadcast_in_dim3A_136 = vector.broadcast %broadcast_in_dim3A_135 : f32 to vector<16xf32>
      %scan3A_137 = arith.constant 0 : i32
      %scan3A_138 = arith.constant 8 : i32
      %scan3A_139 = arith.addi %scan3A_137, %scan3A_138 : i32
      %scan3A_140 = arith.constant 1 : i32
      %scan3A_141:8 = scf.for %scan3A_156 = %scan3A_137 to %scan3A_139 step %scan3A_140 iter_args(%scan3A_157 = %broadcast_in_dim3A_122, %scan3A_158 = %broadcast_in_dim3A_124, %scan3A_159 = %broadcast_in_dim3A_126, %scan3A_160 = %broadcast_in_dim3A_128, %scan3A_161 = %broadcast_in_dim3A_130, %scan3A_162 = %broadcast_in_dim3A_132, %scan3A_163 = %broadcast_in_dim3A_134, %scan3A_164 = %broadcast_in_dim3A_136) -> (vector<16xf32>, vector<16xf32>, vector<16xf32>, vector<16xf32>, vector<16xf32>, vector<16xf32>, vector<16xf32>, vector<16xf32>)  : i32 {
        %mul3A_165 = arith.constant 16 : i32
        %mul3A_166 = arith.muli %scan3A_156, %mul3A_165 : i32
        %add3A_167 = vector.broadcast %mul3A_166 : i32 to vector<16xi32>
        %add3A_168 = arith.addi %iota3A, %add3A_167 : vector<16xi32>
        %add3A_169 = arith.constant 0 : i32
        %add3A_170 = vector.broadcast %add3A_169 : i32 to vector<16xi32>
        %add3A_171 = arith.addi %add3A_168, %add3A_170 : vector<16xi32>
        %and3A = arith.constant 127 : i32
        %and3A_172 = vector.broadcast %and3A : i32 to vector<16xi32>
        %and3A_173 = arith.andi %add3A_171, %and3A_172 : vector<16xi32>
        %gather3A = tpu.vector_load_idx %arg9[%add3A_121, %and3A_173] : memref<128x128xf32, #tpu.memory_space<vmem>>[vector<16xi32>, vector<16xi32>], vector<16xf32>,
        %gather3A_174 = tpu.vector_load_idx %arg12[%add3A_121, %and3A_173] : memref<128x128xf32, #tpu.memory_space<vmem>>[vector<16xi32>, vector<16xi32>], vector<16xf32>,
        %mul3A_175 = arith.mulf %gather3A, %gather3A_174 : vector<16xf32>
        %add3A_176 = arith.addf %scan3A_157, %mul3A_175 : vector<16xf32>
        %add3A_177 = arith.constant 1 : i32
        %add3A_178 = vector.broadcast %add3A_177 : i32 to vector<16xi32>
        %add3A_179 = arith.addi %add3A_168, %add3A_178 : vector<16xi32>
        %and3A_180 = arith.constant 127 : i32
        %and3A_181 = vector.broadcast %and3A_180 : i32 to vector<16xi32>
        %and3A_182 = arith.andi %add3A_179, %and3A_181 : vector<16xi32>
        %gather3A_183 = tpu.vector_load_idx %arg9[%add3A_121, %and3A_182] : memref<128x128xf32, #tpu.memory_space<vmem>>[vector<16xi32>, vector<16xi32>], vector<16xf32>,
        %gather3A_184 = tpu.vector_load_idx %arg12[%add3A_121, %and3A_182] : memref<128x128xf32, #tpu.memory_space<vmem>>[vector<16xi32>, vector<16xi32>], vector<16xf32>,
        %mul3A_185 = arith.mulf %gather3A_183, %gather3A_184 : vector<16xf32>
        %add3A_186 = arith.addf %scan3A_158, %mul3A_185 : vector<16xf32>
        %add3A_187 = arith.constant 2 : i32
        %add3A_188 = vector.broadcast %add3A_187 : i32 to vector<16xi32>
        %add3A_189 = arith.addi %add3A_168, %add3A_188 : vector<16xi32>
        %and3A_190 = arith.constant 127 : i32
        %and3A_191 = vector.broadcast %and3A_190 : i32 to vector<16xi32>
        %and3A_192 = arith.andi %add3A_189, %and3A_191 : vector<16xi32>
        %gather3A_193 = tpu.vector_load_idx %arg9[%add3A_121, %and3A_192] : memref<128x128xf32, #tpu.memory_space<vmem>>[vector<16xi32>, vector<16xi32>], vector<16xf32>,
        %gather3A_194 = tpu.vector_load_idx %arg12[%add3A_121, %and3A_192] : memref<128x128xf32, #tpu.memory_space<vmem>>[vector<16xi32>, vector<16xi32>], vector<16xf32>,
        %mul3A_195 = arith.mulf %gather3A_193, %gather3A_194 : vector<16xf32>
        %add3A_196 = arith.addf %scan3A_159, %mul3A_195 : vector<16xf32>
        %add3A_197 = arith.constant 3 : i32
        %add3A_198 = vector.broadcast %add3A_197 : i32 to vector<16xi32>
        %add3A_199 = arith.addi %add3A_168, %add3A_198 : vector<16xi32>
        %and3A_200 = arith.constant 127 : i32
        %and3A_201 = vector.broadcast %and3A_200 : i32 to vector<16xi32>
        %and3A_202 = arith.andi %add3A_199, %and3A_201 : vector<16xi32>
        %gather3A_203 = tpu.vector_load_idx %arg9[%add3A_121, %and3A_202] : memref<128x128xf32, #tpu.memory_space<vmem>>[vector<16xi32>, vector<16xi32>], vector<16xf32>,
        %gather3A_204 = tpu.vector_load_idx %arg12[%add3A_121, %and3A_202] : memref<128x128xf32, #tpu.memory_space<vmem>>[vector<16xi32>, vector<16xi32>], vector<16xf32>,
        %mul3A_205 = arith.mulf %gather3A_203, %gather3A_204 : vector<16xf32>
        %add3A_206 = arith.addf %scan3A_160, %mul3A_205 : vector<16xf32>
        %add3A_207 = arith.constant 4 : i32
        %add3A_208 = vector.broadcast %add3A_207 : i32 to vector<16xi32>
        %add3A_209 = arith.addi %add3A_168, %add3A_208 : vector<16xi32>
        %and3A_210 = arith.constant 127 : i32
        %and3A_211 = vector.broadcast %and3A_210 : i32 to vector<16xi32>
        %and3A_212 = arith.andi %add3A_209, %and3A_211 : vector<16xi32>
        %gather3A_213 = tpu.vector_load_idx %arg9[%add3A_121, %and3A_212] : memref<128x128xf32, #tpu.memory_space<vmem>>[vector<16xi32>, vector<16xi32>], vector<16xf32>,
        %gather3A_214 = tpu.vector_load_idx %arg12[%add3A_121, %and3A_212] : memref<128x128xf32, #tpu.memory_space<vmem>>[vector<16xi32>, vector<16xi32>], vector<16xf32>,
        %mul3A_215 = arith.mulf %gather3A_213, %gather3A_214 : vector<16xf32>
        %add3A_216 = arith.addf %scan3A_161, %mul3A_215 : vector<16xf32>
        %add3A_217 = arith.constant 5 : i32
        %add3A_218 = vector.broadcast %add3A_217 : i32 to vector<16xi32>
        %add3A_219 = arith.addi %add3A_168, %add3A_218 : vector<16xi32>
        %and3A_220 = arith.constant 127 : i32
        %and3A_221 = vector.broadcast %and3A_220 : i32 to vector<16xi32>
        %and3A_222 = arith.andi %add3A_219, %and3A_221 : vector<16xi32>
        %gather3A_223 = tpu.vector_load_idx %arg9[%add3A_121, %and3A_222] : memref<128x128xf32, #tpu.memory_space<vmem>>[vector<16xi32>, vector<16xi32>], vector<16xf32>,
        %gather3A_224 = tpu.vector_load_idx %arg12[%add3A_121, %and3A_222] : memref<128x128xf32, #tpu.memory_space<vmem>>[vector<16xi32>, vector<16xi32>], vector<16xf32>,
        %mul3A_225 = arith.mulf %gather3A_223, %gather3A_224 : vector<16xf32>
        %add3A_226 = arith.addf %scan3A_162, %mul3A_225 : vector<16xf32>
        %add3A_227 = arith.constant 6 : i32
        %add3A_228 = vector.broadcast %add3A_227 : i32 to vector<16xi32>
        %add3A_229 = arith.addi %add3A_168, %add3A_228 : vector<16xi32>
        %and3A_230 = arith.constant 127 : i32
        %and3A_231 = vector.broadcast %and3A_230 : i32 to vector<16xi32>
        %and3A_232 = arith.andi %add3A_229, %and3A_231 : vector<16xi32>
        %gather3A_233 = tpu.vector_load_idx %arg9[%add3A_121, %and3A_232] : memref<128x128xf32, #tpu.memory_space<vmem>>[vector<16xi32>, vector<16xi32>], vector<16xf32>,
        %gather3A_234 = tpu.vector_load_idx %arg12[%add3A_121, %and3A_232] : memref<128x128xf32, #tpu.memory_space<vmem>>[vector<16xi32>, vector<16xi32>], vector<16xf32>,
        %mul3A_235 = arith.mulf %gather3A_233, %gather3A_234 : vector<16xf32>
        %add3A_236 = arith.addf %scan3A_163, %mul3A_235 : vector<16xf32>
        %add3A_237 = arith.constant 7 : i32
        %add3A_238 = vector.broadcast %add3A_237 : i32 to vector<16xi32>
        %add3A_239 = arith.addi %add3A_168, %add3A_238 : vector<16xi32>
        %and3A_240 = arith.constant 127 : i32
        %and3A_241 = vector.broadcast %and3A_240 : i32 to vector<16xi32>
        %and3A_242 = arith.andi %add3A_239, %and3A_241 : vector<16xi32>
        %gather3A_243 = tpu.vector_load_idx %arg9[%add3A_121, %and3A_242] : memref<128x128xf32, #tpu.memory_space<vmem>>[vector<16xi32>, vector<16xi32>], vector<16xf32>,
        %gather3A_244 = tpu.vector_load_idx %arg12[%add3A_121, %and3A_242] : memref<128x128xf32, #tpu.memory_space<vmem>>[vector<16xi32>, vector<16xi32>], vector<16xf32>,
        %mul3A_245 = arith.mulf %gather3A_243, %gather3A_244 : vector<16xf32>
        %add3A_246 = arith.addf %scan3A_164, %mul3A_245 : vector<16xf32>
        %add3A_247 = arith.constant 8 : i32
        %add3A_248 = vector.broadcast %add3A_247 : i32 to vector<16xi32>
        %add3A_249 = arith.addi %add3A_168, %add3A_248 : vector<16xi32>
        %and3A_250 = arith.constant 127 : i32
        %and3A_251 = vector.broadcast %and3A_250 : i32 to vector<16xi32>
        %and3A_252 = arith.andi %add3A_249, %and3A_251 : vector<16xi32>
        %gather3A_253 = tpu.vector_load_idx %arg9[%add3A_121, %and3A_252] : memref<128x128xf32, #tpu.memory_space<vmem>>[vector<16xi32>, vector<16xi32>], vector<16xf32>,
        %gather3A_254 = tpu.vector_load_idx %arg12[%add3A_121, %and3A_252] : memref<128x128xf32, #tpu.memory_space<vmem>>[vector<16xi32>, vector<16xi32>], vector<16xf32>,
        %mul3A_255 = arith.mulf %gather3A_253, %gather3A_254 : vector<16xf32>
        %add3A_256 = arith.addf %add3A_176, %mul3A_255 : vector<16xf32>
        %add3A_257 = arith.constant 9 : i32
        %add3A_258 = vector.broadcast %add3A_257 : i32 to vector<16xi32>
        %add3A_259 = arith.addi %add3A_168, %add3A_258 : vector<16xi32>
        %and3A_260 = arith.constant 127 : i32
        %and3A_261 = vector.broadcast %and3A_260 : i32 to vector<16xi32>
        %and3A_262 = arith.andi %add3A_259, %and3A_261 : vector<16xi32>
        %gather3A_263 = tpu.vector_load_idx %arg9[%add3A_121, %and3A_262] : memref<128x128xf32, #tpu.memory_space<vmem>>[vector<16xi32>, vector<16xi32>], vector<16xf32>,
        %gather3A_264 = tpu.vector_load_idx %arg12[%add3A_121, %and3A_262] : memref<128x128xf32, #tpu.memory_space<vmem>>[vector<16xi32>, vector<16xi32>], vector<16xf32>,
        %mul3A_265 = arith.mulf %gather3A_263, %gather3A_264 : vector<16xf32>
        %add3A_266 = arith.addf %add3A_186, %mul3A_265 : vector<16xf32>
        %add3A_267 = arith.constant 10 : i32
        %add3A_268 = vector.broadcast %add3A_267 : i32 to vector<16xi32>
        %add3A_269 = arith.addi %add3A_168, %add3A_268 : vector<16xi32>
        %and3A_270 = arith.constant 127 : i32
        %and3A_271 = vector.broadcast %and3A_270 : i32 to vector<16xi32>
        %and3A_272 = arith.andi %add3A_269, %and3A_271 : vector<16xi32>
        %gather3A_273 = tpu.vector_load_idx %arg9[%add3A_121, %and3A_272] : memref<128x128xf32, #tpu.memory_space<vmem>>[vector<16xi32>, vector<16xi32>], vector<16xf32>,
        %gather3A_274 = tpu.vector_load_idx %arg12[%add3A_121, %and3A_272] : memref<128x128xf32, #tpu.memory_space<vmem>>[vector<16xi32>, vector<16xi32>], vector<16xf32>,
        %mul3A_275 = arith.mulf %gather3A_273, %gather3A_274 : vector<16xf32>
        %add3A_276 = arith.addf %add3A_196, %mul3A_275 : vector<16xf32>
        %add3A_277 = arith.constant 11 : i32
        %add3A_278 = vector.broadcast %add3A_277 : i32 to vector<16xi32>
        %add3A_279 = arith.addi %add3A_168, %add3A_278 : vector<16xi32>
        %and3A_280 = arith.constant 127 : i32
        %and3A_281 = vector.broadcast %and3A_280 : i32 to vector<16xi32>
        %and3A_282 = arith.andi %add3A_279, %and3A_281 : vector<16xi32>
        %gather3A_283 = tpu.vector_load_idx %arg9[%add3A_121, %and3A_282] : memref<128x128xf32, #tpu.memory_space<vmem>>[vector<16xi32>, vector<16xi32>], vector<16xf32>,
        %gather3A_284 = tpu.vector_load_idx %arg12[%add3A_121, %and3A_282] : memref<128x128xf32, #tpu.memory_space<vmem>>[vector<16xi32>, vector<16xi32>], vector<16xf32>,
        %mul3A_285 = arith.mulf %gather3A_283, %gather3A_284 : vector<16xf32>
        %add3A_286 = arith.addf %add3A_206, %mul3A_285 : vector<16xf32>
        %add3A_287 = arith.constant 12 : i32
        %add3A_288 = vector.broadcast %add3A_287 : i32 to vector<16xi32>
        %add3A_289 = arith.addi %add3A_168, %add3A_288 : vector<16xi32>
        %and3A_290 = arith.constant 127 : i32
        %and3A_291 = vector.broadcast %and3A_290 : i32 to vector<16xi32>
        %and3A_292 = arith.andi %add3A_289, %and3A_291 : vector<16xi32>
        %gather3A_293 = tpu.vector_load_idx %arg9[%add3A_121, %and3A_292] : memref<128x128xf32, #tpu.memory_space<vmem>>[vector<16xi32>, vector<16xi32>], vector<16xf32>,
        %gather3A_294 = tpu.vector_load_idx %arg12[%add3A_121, %and3A_292] : memref<128x128xf32, #tpu.memory_space<vmem>>[vector<16xi32>, vector<16xi32>], vector<16xf32>,
        %mul3A_295 = arith.mulf %gather3A_293, %gather3A_294 : vector<16xf32>
        %add3A_296 = arith.addf %add3A_216, %mul3A_295 : vector<16xf32>
        %add3A_297 = arith.constant 13 : i32
        %add3A_298 = vector.broadcast %add3A_297 : i32 to vector<16xi32>
        %add3A_299 = arith.addi %add3A_168, %add3A_298 : vector<16xi32>
        %and3A_300 = arith.constant 127 : i32
        %and3A_301 = vector.broadcast %and3A_300 : i32 to vector<16xi32>
        %and3A_302 = arith.andi %add3A_299, %and3A_301 : vector<16xi32>
        %gather3A_303 = tpu.vector_load_idx %arg9[%add3A_121, %and3A_302] : memref<128x128xf32, #tpu.memory_space<vmem>>[vector<16xi32>, vector<16xi32>], vector<16xf32>,
        %gather3A_304 = tpu.vector_load_idx %arg12[%add3A_121, %and3A_302] : memref<128x128xf32, #tpu.memory_space<vmem>>[vector<16xi32>, vector<16xi32>], vector<16xf32>,
        %mul3A_305 = arith.mulf %gather3A_303, %gather3A_304 : vector<16xf32>
        %add3A_306 = arith.addf %add3A_226, %mul3A_305 : vector<16xf32>
        %add3A_307 = arith.constant 14 : i32
        %add3A_308 = vector.broadcast %add3A_307 : i32 to vector<16xi32>
        %add3A_309 = arith.addi %add3A_168, %add3A_308 : vector<16xi32>
        %and3A_310 = arith.constant 127 : i32
        %and3A_311 = vector.broadcast %and3A_310 : i32 to vector<16xi32>
        %and3A_312 = arith.andi %add3A_309, %and3A_311 : vector<16xi32>
        %gather3A_313 = tpu.vector_load_idx %arg9[%add3A_121, %and3A_312] : memref<128x128xf32, #tpu.memory_space<vmem>>[vector<16xi32>, vector<16xi32>], vector<16xf32>,
        %gather3A_314 = tpu.vector_load_idx %arg12[%add3A_121, %and3A_312] : memref<128x128xf32, #tpu.memory_space<vmem>>[vector<16xi32>, vector<16xi32>], vector<16xf32>,
        %mul3A_315 = arith.mulf %gather3A_313, %gather3A_314 : vector<16xf32>
        %add3A_316 = arith.addf %add3A_236, %mul3A_315 : vector<16xf32>
        %add3A_317 = arith.constant 15 : i32
        %add3A_318 = vector.broadcast %add3A_317 : i32 to vector<16xi32>
        %add3A_319 = arith.addi %add3A_168, %add3A_318 : vector<16xi32>
        %and3A_320 = arith.constant 127 : i32
        %and3A_321 = vector.broadcast %and3A_320 : i32 to vector<16xi32>
        %and3A_322 = arith.andi %add3A_319, %and3A_321 : vector<16xi32>
        %gather3A_323 = tpu.vector_load_idx %arg9[%add3A_121, %and3A_322] : memref<128x128xf32, #tpu.memory_space<vmem>>[vector<16xi32>, vector<16xi32>], vector<16xf32>,
        %gather3A_324 = tpu.vector_load_idx %arg12[%add3A_121, %and3A_322] : memref<128x128xf32, #tpu.memory_space<vmem>>[vector<16xi32>, vector<16xi32>], vector<16xf32>,
        %mul3A_325 = arith.mulf %gather3A_323, %gather3A_324 : vector<16xf32>
        %add3A_326 = arith.addf %add3A_246, %mul3A_325 : vector<16xf32>
        scf.yield %add3A_256, %add3A_266, %add3A_276, %add3A_286, %add3A_296, %add3A_306, %add3A_316, %add3A_326 : vector<16xf32>, vector<16xf32>, vector<16xf32>, vector<16xf32>, vector<16xf32>, vector<16xf32>, vector<16xf32>, vector<16xf32>
      }
      %scan3A_142 = arith.constant 8 : i32
      %add3A_143 = arith.addf %scan3A_141#0, %scan3A_141#1 : vector<16xf32>
      %add3A_144 = arith.addf %scan3A_141#2, %scan3A_141#3 : vector<16xf32>
      %add3A_145 = arith.addf %scan3A_141#4, %scan3A_141#5 : vector<16xf32>
      %add3A_146 = arith.addf %scan3A_141#6, %scan3A_141#7 : vector<16xf32>
      %add3A_147 = arith.addf %add3A_143, %add3A_144 : vector<16xf32>
      %add3A_148 = arith.addf %add3A_145, %add3A_146 : vector<16xf32>
      %add3A_149 = arith.addf %add3A_147, %add3A_148 : vector<16xf32>
      %mul3A_150 = arith.constant 16 : i32
      %mul3A_151 = arith.muli %scan3A_116, %mul3A_150 : i32
      %add3A_152 = arith.constant 384 : i32
      %add3A_153 = arith.addi %add3A_152, %mul3A_151 : i32
      %swap3A = arith.index_cast %add3A_153 : i32 to index
      %swap3A_154 = tpu.vector_load %arg15[%swap3A] {strides = array<i32>} : memref<512xf32, #tpu.memory_space<vmem>>, vector<16xf32>,
      tpu.vector_store %arg15[%swap3A], %add3A_149 {strides = array<i32>} : memref<512xf32, #tpu.memory_space<vmem>>, vector<16xf32>,
      %scan3A_155 = arith.constant 0 : i32
      scf.yield %scan3A_155 : i32
    }
    %scan3A_115 = arith.constant 8 : i32
    "tpu.region"() ({
      %run_scoped3A = tpu.sem_alloc : memref<!tpu.dma_semaphore, #tpu.memory_space<semaphore_mem>>
      %dma_start3A_116 = tpu.memref_slice %arg6[%mul3A_2] : memref<16384xf32, #tpu.memory_space<hbm>> -> memref<512xf32, #tpu.memory_space<hbm>>
      %dma_start3A_117 = tpu.memref_slice %arg6[%mul3A_2] : memref<16384xf32, #tpu.memory_space<hbm>> -> memref<512xf32, #tpu.memory_space<hbm>>
      tpu.enqueue_dma source(%arg15 : memref<512xf32, #tpu.memory_space<vmem>>) target(%dma_start3A_117 : memref<512xf32, #tpu.memory_space<hbm>>) target_semaphore(%run_scoped3A : memref<!tpu.dma_semaphore, #tpu.memory_space<semaphore_mem>>)
      %dma_wait3A_118 = tpu.memref_slice %arg6[%mul3A_2] : memref<16384xf32, #tpu.memory_space<hbm>> -> memref<512xf32, #tpu.memory_space<hbm>>
      %dma_wait3A_119 = tpu.memref_slice %arg6[%mul3A_2] : memref<16384xf32, #tpu.memory_space<hbm>> -> memref<512xf32, #tpu.memory_space<hbm>>
      tpu.wait_dma2 semaphore(%run_scoped3A : memref<!tpu.dma_semaphore, #tpu.memory_space<semaphore_mem>>) src(%arg15 : memref<512xf32, #tpu.memory_space<vmem>>) dst(%dma_wait3A_119 : memref<512xf32, #tpu.memory_space<hbm>>)
      tpu.yield
    }) : () -> ()
    return
  }
}

</mosaic_0001>

<sc_bundles>
// kernel: kernel.3.cloned.1.call-start
scs
__scs_entry_jumppad:
0x0: {  	(pc) =	sbr.rel $0x88, $3  }
0x1: {  	(tag) =	ssettag $0x0;
	lr =	simm.s32 $0x1  }
0x2: {  	[smem:$0x3F9D] =	sst lr;
	_ =	strace $0xD0000000  }
0x3: {  	_ = 	snop  }
0x4: {  	_ = 	snop  }
0x5: {  	_ = 	snop  }
0x6: {  	_ = 	snop  }
0x7: {  	_ = 	snop  }
__scs_overlays_trampoline_lowered:
0x8: {  	[smem:$0x3FAC] =	sst s0  }
0x9: {  	[smem:$0x3FAD] =	sst s1  }
0xa: {  	[smem:$0x3FAE] =	sst s2  }
0xb: {  	[smem:$0x3FAF] =	sst s3  }
0xc: {  	[smem:$0x3FB0] =	sst s4  }
0xd: {  	[smem:$0x3FB1] =	sst s5  }
0xe: {  	[smem:$0x3FB2] =	sst s6  }
0xf: {  	[smem:$0x3FB3] =	sst s7  }
0x10: {  	[smem:$0x3FB4] =	sst s8  }
0x11: {  	[smem:$0x3FB5] =	sst s9;
	s0 =	simm.s32 @!p0 $0x0  }
0x12: {  	s1 =	sld [smem:$0x3F9B];
	s0 =	simm.s32 @p0 $0x1  }
0x13: {  	[smem:$0x3FB6] =	sst s0;
	s0 =	simm.s32 @!p1 $0x0  }
0x14: {  	s2 =	sld [smem:$0x3F9A];
	s0 =	simm.s32 @p1 $0x1  }
0x15: {  	[smem:$0x3FB7] =	sst s0;
	s0 =	simm.s32 @!p2 $0x0  }
0x16: {  	s3 =	sld [smem:$0x3FDB];
	s0 =	simm.s32 @p2 $0x1  }
0x17: {  	s4 =	simm.s32 $0x1BF5;
	[smem:$0x3FB9] =	sst s0  }
0x18: {  	s0 =	sld [smem:$0x3F9C];
	_ =	swait.ge [sflag:s4], $0x0  }
0x19: {  	s7 =	sld [smem:$0x3F9D]  }
0x1a: {  	s8 =	sadd.s32 $0xFFFFE003, lr  }
0x1b: {  	s9 =	sadd.s32 $0xFFFFFEF7, lr;
	s5 =	simm.s32 $0xFFFFFFFF;
	p2 =	slt.u32 s8, $0xFFFFF086  }
0x1c: {  	p1 =	slt.u32 s9, $0xF7A;
	s5 =	simm.s32 @!p2 $0x0  }
0x1d: {  	s5 =	simm.s32 @p1 $0x1;
	p0 =	seq.s32 s7, s2  }
0x1e: {  	s7 =	smul.u32 @!p0 $0xF7A, s2;
	p2 =	seq.s32 @!p0 s5, $0x0  }
0x1f: {  	s9 =	smul.u32 $0xF7A, s1;
	s8 =	simm.s32 @!p0 $0x1BF5;
	p2 =	por !p2, p0  }
0x20: {  	[sflag:s8] =	ssyncset.s32 @!p0 $0xFFFFF086;
	s6 =	sadd.s32 @!p0 s3, s7;
	s7 =	simm.s32 @!p0 $0x108  }
0x21: {  	s3 =	sadd.s32 s3, s9;
	s6 =	sadd.s32 @!p0 $0x88, s6;
	s7 =	simm.s32 @p2 $0x1082  }
0x22: {  	[simem:s7], [sflag:s8] =	dma.local @!p0 [hbm:s6], $0xF7A  }
0x23: {  	s9 =	sor.u32 $0xD0000000, s2;
	s6 =	simm.s32 $0x108;
	_ =	swait.ge @!p0 [sflag:s8], $0x0  }
0x24: {  	s3 =	sadd.s32 $0x88, s3;
	s6 =	simm.s32 @!p1 $0x1082;
	[sflag:s4] =	ssyncset.s32 $0xFFFFF086  }
0x25: {  	[simem:s6], [sflag:s4] =	dma.local [hbm:s3], $0xF7A  }
0x26: {  	[smem:$0x3F9D] =	sst s1;
	(tag) =	ssettag s2;
	_ =	strace s9  }
0x27: {  	s1 =	sld [smem:$0x3FAD]  }
0x28: {  	s2 =	sld [smem:$0x3FAE]  }
0x29: {  	s4 =	sld [smem:$0x3FB0]  }
0x2a: {  	p0 =	seq.s32 s5, $0x0;
	s5 =	sld [smem:$0x3FB1]  }
0x2b: {  	s6 =	sld [smem:$0x3FB2]  }
0x2c: {  	s7 =	sld [smem:$0x3FB3]  }
0x2d: {  	s3 =	simm.s32 $0x108;
	s8 =	sld [smem:$0x3FB4]  }
0x2e: {  	s3 =	simm.s32 @!p0 $0x1082;
	s9 =	sld [smem:$0x3FB5]  }
0x2f: {  	lr =	sadd.s32 s0, s3;
	s0 =	sld [smem:$0x3FAC]  }
0x30: {  	s3 =	sld [smem:$0x3FAF]  }
0x31: {  	[smem:$0x3FB8] =	sst s10  }
0x32: {  	s10 =	sld [smem:$0x3FB6];
	_ =	sdelay $0x3  }
0x33: {  	p0 =	seq.s32 s10, $0x1;
	s10 =	sld [smem:$0x3FB8];
	_ =	sdelay $0x3  }
0x34: {  	[smem:$0x3FB8] =	sst s10  }
0x35: {  	s10 =	sld [smem:$0x3FB7];
	_ =	sdelay $0x3  }
0x36: {  	p1 =	seq.s32 s10, $0x1;
	s10 =	sld [smem:$0x3FB8];
	_ =	sdelay $0x3  }
0x37: {  	[smem:$0x3FB8] =	sst s10  }
0x38: {  	s10 =	sld [smem:$0x3FB9]  }
0x39: {  	_ = 	snop;
	(pc) =	sbr.ind lr, $3  }
0x3a: {  	_ = 	snop  }
0x3b: {  	_ = 	snop  }
0x3c: {  	p2 =	seq.s32 s10, $0x1;
	s10 =	sld [smem:$0x3FB8]  }
0x3d: {  	_ =	shalt  }
0x3e: {  	_ =	shalt  }
0x3f: {  	_ =	shalt  }
0x40: {  	_ =	shalt  }
0x41: {  	_ =	shalt  }
0x42: {  	_ =	shalt  }
0x43: {  	_ =	shalt  }
0x44: {  	_ =	shalt  }
0x45: {  	_ =	shalt  }
0x46: {  	_ =	shalt  }
0x47: {  	_ =	shalt  }
0x48: {  	_ =	shalt  }
0x49: {  	_ =	shalt  }
0x4a: {  	_ =	shalt  }
0x4b: {  	_ =	shalt  }
0x4c: {  	_ =	shalt  }
0x4d: {  	_ =	shalt  }
0x4e: {  	_ =	shalt  }
0x4f: {  	_ =	shalt  }
0x50: {  	_ =	shalt  }
0x51: {  	_ =	shalt  }
0x52: {  	_ =	shalt  }
0x53: {  	_ =	shalt  }
0x54: {  	_ =	shalt  }
0x55: {  	_ =	shalt  }
0x56: {  	_ =	shalt  }
0x57: {  	_ =	shalt  }
0x58: {  	_ =	shalt  }
0x59: {  	_ =	shalt  }
0x5a: {  	_ =	shalt  }
0x5b: {  	_ =	shalt  }
0x5c: {  	_ =	shalt  }
0x5d: {  	_ =	shalt  }
0x5e: {  	_ =	shalt  }
0x5f: {  	_ =	shalt  }
0x60: {  	_ =	shalt  }
0x61: {  	_ =	shalt  }
0x62: {  	_ =	shalt  }
0x63: {  	_ =	shalt  }
0x64: {  	_ =	shalt  }
0x65: {  	_ =	shalt  }
0x66: {  	_ =	shalt  }
0x67: {  	_ =	shalt  }
0x68: {  	_ =	shalt  }
0x69: {  	_ =	shalt  }
0x6a: {  	_ =	shalt  }
0x6b: {  	_ =	shalt  }
0x6c: {  	_ =	shalt  }
0x6d: {  	_ =	shalt  }
0x6e: {  	_ =	shalt  }
0x6f: {  	_ =	shalt  }
0x70: {  	_ =	shalt  }
0x71: {  	_ =	shalt  }
0x72: {  	_ =	shalt  }
0x73: {  	_ =	shalt  }
0x74: {  	_ =	shalt  }
0x75: {  	_ =	shalt  }
0x76: {  	_ =	shalt  }
0x77: {  	_ =	shalt  }
0x78: {  	_ =	shalt  }
0x79: {  	_ =	shalt  }
0x7a: {  	_ =	shalt  }
0x7b: {  	_ =	shalt  }
0x7c: {  	_ =	shalt  }
0x7d: {  	_ =	shalt  }
0x7e: {  	_ =	shalt  }
0x7f: {  	_ =	shalt  }
0x80: {  	_ =	shalt  }
0x81: {  	_ =	shalt  }
0x82: {  	_ =	shalt  }
0x83: {  	_ =	shalt  }
0x84: {  	_ =	shalt  }
0x85: {  	_ =	shalt  }
0x86: {  	_ =	shalt  }
0x87: {  	_ =	shalt  }
.Lfunc_end0:
.L_simem_size_0:
called_computation_lowered:
.L_overlay_start_0:
0x88: {  	s2 =	sld [smem:$0x3FD9]  }
0x89: {  	s3 =	sld [smem:$0x3FFE];
	_ =	sdelay $0x1  }
0x8a: {  	s1 =	srdreg.scid  }
0x8b: {  	s0 =	sand.u32 $0x1, s1  }
0x8c: {  	s18 =	sshll.u32 s0, $0xA;
	s2 =	sadd.s32 s3, s2  }
0x8d: {  	s2 =	sadd.s32 s2, s18  }
0x8e: {  	[smem:$0x3FC4] =	sst s2  }
0x8f: {  	_ = 	snop  }
0x90: {  	s2 =	sld [smem:$0x3FC9]  }
0x91: {  	s19 =	sld [smem:$0x3FC8]  }
0x92: {  	s4 =	sld [smem:$0x3FC7]  }
0x93: {  	s5 =	sld [smem:$0x3FC6]  }
0x94: {  	s6 =	sld [smem:$0x3FD0];
	(tm) =	ssettm $0x1  }
0x95: {  	s7 =	sld [smem:$0x3FFB];
	_ =	sdelay $0x3  }
0x96: {  	_ =	strace s7  }
0x97: {  	s7 =	sld [smem:$0x3FFC];
	_ =	sdelay $0x3  }
0x98: {  	_ =	strace s7  }
0x99: {  	s7 =	sld [smem:$0x3FFD];
	_ =	sdelay $0x3  }
0x9a: {  	_ =	strace s7  }
0x9b: {  	_ =	strace $0x8FFFFFFF  }
0x9c: {  	s20 =	sld [smem:$0x3FDB];
	_ =	sdelay $0x1  }
0x9d: {  	s8 =	simm.s32 $_scs_section_size  }
0x9e: {  	s9 =	simm.s32 $_size__tile_overlayer_lowered;
	s10 =	simm.s32 $_tile_overlayer_lowered  }
0x9f: {  	s23 =	simm.s32 $0x1BFF;
	s22 =	sshll.u32 s10, $0x1;
	s7 =	sadd.s32 s8, s20  }
0xa0: {  	s11 =	simm.s32 $0x0;
	s21 =	sshll.u32 s9, $0x1;
	s9 =	sadd.s32 s22, s7  }
0xa1: {  	[timem:s11], [sflag:s23] =	dma.local [hbm:s9], s21  }
0xa2: {  	_ =	swait.ge [sflag:s23], s21  }
0xa3: {  	s8 =	ssub.s32 $0x0, s21;
	[sflag:s23] =	ssyncset.done $0x0  }
0xa4: {  	[sflag:s23] =	ssyncadd.s32 s8;
	_ =	sdelay $0x1  }
0xa5: {  	s24 =	simm.s32 $0x1B8B  }
0xa6: {  	_ =	swait.ge [sflag:s24], $0x1  }
0xa7: {  	[sflag:s24] =	ssyncset.done $0x0  }
0xa8: {  	s25 =	simm.s32 $0x1B8E;
	[sflag:s24] =	ssyncadd.s32 $0xFFFFFFFF  }
0xa9: {  	s26 =	simm.s32 $execute0_lowered;
	[smem:$0x3FD2] =	sst s25  }
0xaa: {  	s8 =	sshll.u32 s26, $0x1;
	_ =	strace $0x80000046;
	[dreg:$0x1] =	wrdreg $0xFFFFFFFF  }
0xab: {  	s28 =	simm.s32 $_size_execute0_lowered;
	s7 =	sadd.s32 s7, s8;
	[dreg:$0x0] =	wrdreg $0x0  }
0xac: {  	s8 =	sshll.u32 s28, $0x1;
	[dreg:$0x2] =	wrdreg s7  }
0xad: {  	[dreg:$0x3] =	wrdreg s8  }
0xae: {  	[dreg:$0x4] =	wrdreg $0xC0  }
0xaf: {  	_ =	task [dreg:s11], $0x5FFFF  }
0xb0: {  	[dreg:$0x1] =	wrdreg $0xFFFFFFFF  }
0xb1: {  	[dreg:$0x0] =	wrdreg $0x60  }
0xb2: {  	[dreg:$0x2] =	wrdreg s2  }
0xb3: {  	[dreg:$0x3] =	wrdreg s19  }
0xb4: {  	[dreg:$0x4] =	wrdreg s4  }
0xb5: {  	[dreg:$0x5] =	wrdreg s5  }
0xb6: {  	[dreg:$0x6] =	wrdreg s6  }
0xb7: {  	[dreg:$0x7] =	wrdreg $0x9  }
0xb8: {  	_ =	task.clear_ibuf [dreg:s11], $0x8FFFF;
	_ =	strace $0x90000046  }
0xb9: {  	s29 =	simm.s32 $0x9;
	_ =	strace $0x80000048  }
0xba: {  	_ =	swait.ge [sflag:s29], $0x1  }
0xbb: {  	[sflag:s29] =	ssyncadd.s32 $0xFFFFFFFF  }
0xbc: {  	_ =	strace $0x90000048  }
0xbd: {  	_ =	sfence  }
0xbe: {  	s30 =	sld [smem:$0x0];
	_ =	sdelay $0x2  }
0xbf: {  	s31 =	sshll.u32 s1, $0xD;
	s1 =	sshrl.u32 s1, $0x2  }
0xc0: {  	s3 =	sand.u32 $0x4000, s31;
	s1 =	sadd.s32 s1, s30  }
0xc1: {  	s0 =	sor.u32 s3, s0;
	s1 =	sshll.u32 s1, $0x11  }
0xc2: {  	s0 =	sor.u32 s1, s0  }
0xc3: {  	s0 =	sadd.s32 $0x8F2B, s0  }
0xc4: {  	[sflag:s0] =	ssyncadd.remote.s32 $0x1  }
0xc5: {  	_ =	sfence.sel $0xFFFF  }
0xc6: {  	[dreg:$0x0] =	wrdreg $0xFFFFFFFF;
	(pc) =	sbr.abs _section_cstart, $3  }
0xc7: {  	[dreg:$0x1] =	wrdreg $0xFFFFFFFF  }
0xc8: {  	_ =	task.clear_ibuf [dreg:s11], $0x2FFFF;
	_ =	strace $0x9FFFFFFF  }
0xc9: {  	(tm) =	ssettm $0x7FFFFFFF  }
tec
execute0_lowered:
.L_overlay_start_1:
0x0: {  	(tag) =	ssettag $0x1  }
0x1: {  	s0 =	rddreg [dreg:$0x0]  }
0x2: {  	s3 =	rddreg [dreg:$0x1]  }
0x3: {  	s1 =	rddreg [dreg:$0x2]  }
0x4: {  	s2 =	rddreg [dreg:$0x3]  }
0x5: {  	s7 =	rddreg [dreg:$0x4];
	s4 =	simm.s32 $0x0;
	s5 =	srdreg.scid  }
0x6: {  	s8 =	stileid.u32;
	s10 =	simm.s32 $0x1;
	s11 =	simm.s32 $0x4  }
0x7: {  	s12 =	simm.s32 $0x80;
	s13 =	simm.s32 $0x400;
	s14 =	simm.s32 $0xC400  }
0x8: {  	s15 =	simm.s32 $0x4400;
	s17 =	simm.s32 $0x10400;
	s19 =	simm.s32 $0x8400  }
0x9: {  	s21 =	simm.s32 $0x14400;
	s22 =	simm.s32 $0x180;
	s23 =	simm.s32 $0x380  }
0xa: {  	v0 =	vlaneseq.u32;
	s24 =	simm.s32 $0x2;
	s25 =	simm.s32 $0x5;
	s26 =	simm.s32 $0x3  }
0xb: {  	s28 =	simm.s32 $0x6;
	s29 =	simm.s32 $0x18400;
	s30 =	simm.s32 $0x7;
	v1 =	vmul.u32 $0x80, v0  }
0xc: {  	s31 =	simm.s32 $0x0;
	[smem:$0x7FF] =	sst s4;
	s5 =	sand.u32 $0x1, s5;
	v2 =	vadd.s32 $0x1, v0;
	v3 =	vadd.s32 $0x2, v0;
	v4 =	vadd.s32 $0x3, v0  }
0xd: {  	s8 =	sshll.u32 s8, $0x7;
	v5 =	vadd.s32 $0x4, v0;
	v6 =	vadd.s32 $0x5, v0;
	v7 =	vadd.s32 $0x6, v0;
	s6 =	ssub.s32 $0x2, s5;
	s5 =	sshll.u32 s5, $0x6  }
0xe: {  	v8 =	vadd.s32 $0x7, v0;
	v9 =	vadd.s32 $0x8, v0;
	v10 =	vadd.s32 $0x9, v0;
	_ =	strace $0x80000047;
	s9 =	sshrl.u32 s6, $0x1;
	s8 =	sor.u32 s5, s8  }
0xf: {  	v11 =	vadd.s32 $0xA, v0;
	v12 =	vadd.s32 $0xB, v0;
	v13 =	vadd.s32 $0xC, v0;
	s9 =	ssub.s32 s6, s9;
	s5 =	sadd.s32 s0, s8;
	s6 =	sadd.s32 s3, s8  }
0x10: {  	v14 =	vadd.s32 $0xD, v0;
	v15 =	vadd.s32 $0xE, v0;
	v16 =	vadd.s32 $0xF, v0;
	s7 =	sadd.s32 s7, s8;
	s8 =	smax.u32 s9, $0x1;
	s9 =	simm.s32 $0x200  }
.LBB2_1:
0x11: {  	[tilespmem:s4], [sflag:$0x1] =	stream.linear.gather [hbm4b:s5+s4], $0x200, $0x38;
	[tilespmem:$0x18600] =	vst v63  }
0x12: {  	_ = 	snop  }
0x13: {  	[tilespmem:s9], [sflag:$0x4] =	stream.linear.gather [hbm4b:s6+s4], $0x200, $0x38;
	[tilespmem:$0x18600] =	vst v63  }
0x14: {  	_ =	swait.ge [sflag:s10], $0x200  }
0x15: {  	[sflag:s10] =	ssyncset.done $0x0  }
0x16: {  	[sflag:s10] =	ssyncadd.s32 $0xFFFFFE00  }
0x17: {  	_ =	swait.ge [sflag:s11], $0x200  }
0x18: {  	[sflag:s11] =	ssyncset.done $0x0  }
0x19: {  	[sflag:s11] =	ssyncadd.s32 $0xFFFFFE00  }
0x1a: {  	[tilespmem:s13], [sflag:$0x1] =	stream.indirect.gather [hbm4b:s1+s12], $0x80, s4, s12, $0xb8;
	[tilespmem:$0x18600] =	vst v63  }
0x1b: {  	_ = 	snop  }
0x1c: {  	[tilespmem:s14], [sflag:$0x4] =	stream.indirect.gather [hbm4b:s2+s12], $0x80, s9, s12, $0xb8;
	[tilespmem:$0x18600] =	vst v63  }
0x1d: {  	_ = 	snop  }
0x1e: {  	[tilespmem:s15], [sflag:$0x2] =	stream.indirect.gather [hbm4b:s1+s12], $0x80, s12, s12, $0xb8;
	[tilespmem:$0x18600] =	vst v63  }
0x1f: {  	s0 =	simm.s32 $0x280  }
0x20: {  	[tilespmem:s17], [sflag:$0x5] =	stream.indirect.gather [hbm4b:s2+s12], $0x80, s0, s12, $0xb8;
	[tilespmem:$0x18600] =	vst v63  }
0x21: {  	s18 =	simm.s32 $0x100  }
0x22: {  	[tilespmem:s19], [sflag:$0x3] =	stream.indirect.gather [hbm4b:s1+s12], $0x80, s18, s12, $0xb8;
	[tilespmem:$0x18600] =	vst v63  }
0x23: {  	s20 =	simm.s32 $0x300  }
0x24: {  	[tilespmem:s21], [sflag:$0x6] =	stream.indirect.gather [hbm4b:s2+s12], $0x80, s20, s12, $0xb8;
	[tilespmem:$0x18600] =	vst v63  }
0x25: {  	_ =	swait.ge [sflag:s10], $0x4000  }
0x26: {  	[sflag:s10] =	ssyncset.done $0x0  }
0x27: {  	[sflag:s10] =	ssyncadd.s32 $0xFFFFC000  }
0x28: {  	_ =	swait.ge [sflag:s11], $0x4000  }
0x29: {  	[sflag:s11] =	ssyncset.done $0x0  }
0x2a: {  	s0 =	simm.s32 $0x0;
	[sflag:s11] =	ssyncadd.s32 $0xFFFFC000  }
.LBB2_2:
0x2b: {  	s3 =	sshll.u32 s0, $0x4  }
0x2c: {  	s16 =	simm.s32 $0x0;
	v17 =	vmov s3  }
0x2d: {  	v18 =	vadd.s32 s16, v3;
	v17 =	vshll.u32 v17, $0x7  }
0x2e: {  	v19 =	vadd.s32 s16, v5;
	v18 =	vand.u32 $0x7F, v18;
	v17 =	vor.u32 v1, v17  }
0x2f: {  	v19 =	vand.u32 $0x7F, v19;
	v20 =	vor.u32 v17, v18  }
0x30: {  	v22 =	vadd.s32 s16, v7;
	v19 =	vor.u32 v17, v19  }
0x31: {  	v22 =	vand.u32 $0x7F, v22  }
0x32: {  	v22 =	vor.u32 v17, v22  }
0x33: {  	v18 =	vadd.s32 s16, v2  }
0x34: {  	v21 =	vand.u32 $0x7F, v18;
	v25 =	vld.idx.msk [tilespmem:v20+s13+$0x0], $0xffff  }
0x35: {  	v18 =	vor.u32 v0, v17;
	v21 =	vor.u32 v17, v21;
	v26 =	vld.idx.msk [tilespmem:v19+s14+$0x0], $0xffff  }
0x36: {  	v24 =	vor.u32 s16, v18;
	v27 =	vld.idx.msk [tilespmem:v19+s13+$0x0], $0xffff  }
0x37: {  	v23 =	vadd.s32 s16, v8;
	v32 =	vld.idx.msk [tilespmem:v22+s13+$0x0], $0xffff  }
0x38: {  	v23 =	vand.u32 $0x7F, v23;
	v19 =	vadd.s32 s16, v4;
	v34 =	vld.idx.msk [tilespmem:v20+s14+$0x0], $0xffff  }
0x39: {  	v23 =	vor.u32 v17, v23;
	v20 =	vld.idx.msk [tilespmem:v22+s14+$0x0], $0xffff;
	v19 =	vand.u32 $0x7F, v19  }
0x3a: {  	v30 =	vld.idx.msk [tilespmem:v21+s14+$0x0], $0xffff;
	v31 =	vor.u32 v17, v19;
	v19 =	vadd.s32 s16, v6  }
0x3b: {  	v28 =	vld.idx.msk [tilespmem:v24+s13+$0x0], $0xffff;
	v19 =	vand.u32 $0x7F, v19  }
0x3c: {  	v29 =	vadd.s32 s16, v14;
	v36 =	vadd.s32 s16, v12;
	v24 =	vld.idx.msk [tilespmem:v24+s14+$0x0], $0xffff;
	v33 =	vor.u32 v17, v19  }
0x3d: {  	v59 =	vand.u32 $0x7F, v36;
	v21 =	vld.idx.msk [tilespmem:v21+s13+$0x0], $0xffff;
	v19 =	vand.u32 $0x7F, v29  }
0x3e: {  	v42 =	vor.u32 v17, v59;
	v22 =	vor.u32 v17, v19;
	v19 =	vld.idx.msk [tilespmem:v23+s13+$0x0], $0xffff  }
0x3f: {  	v35 =	vadd.s32 s16, v10;
	v37 =	vadd.s32 s16, v16;
	v60 =	vadd.s32 s16, v13;
	v39 =	vld.idx.msk [tilespmem:v31+s14+$0x0], $0xffff  }
0x40: {  	v41 =	vadd.s32 s16, v9;
	v61 =	vadd.s32 s16, v11;
	v38 =	vand.u32 $0x7F, v35;
	v31 =	vld.idx.msk [tilespmem:v31+s13+$0x0], $0xffff  }
0x41: {  	v26 =	vmul.f32 v26, v27;
	v27 =	vand.u32 $0x7F, v41;
	v32 =	vmul.f32 v20, v32;
	v40 =	vld.idx.msk [tilespmem:v33+s14+$0x0], $0xffff  }
0x42: {  	v29 =	vimm.f32 $0.0e+00;
	v25 =	vmul.f32 v34, v25;
	v41 =	vor.u32 v17, v27;
	v43 =	vld.idx.msk [tilespmem:v33+s13+$0x0], $0xffff  }
0x43: {  	v27 =	vand.u32 $0x7F, v61;
	v62 =	vmul.f32 v24, v28;
	v24 =	vadd.f32 v32, v29;
	v32 =	vld.idx.msk [tilespmem:v42+s13+$0x0], $0xffff  }
0x44: {  	v63 =	vadd.s32 s16, v15;
	v20 =	vor.u32 v17, v38;
	v38 =	vor.u32 v17, v27;
	v35 =	vld.idx.msk [tilespmem:v22+s14+$0x0], $0xffff  }
0x45: {  	v36 =	vand.u32 $0x7F, v60;
	v44 =	vand.u32 $0x7F, v37;
	v27 =	vadd.f32 v25, v29;
	v37 =	vld.idx.msk [tilespmem:v22+s13+$0x0], $0xffff  }
0x46: {  	v33 =	vld.idx.msk [tilespmem:v42+s14+$0x0], $0xffff;
	v25 =	vadd.f32 v62, v29;
	v42 =	vand.u32 $0x7F, v63;
	v31 =	vmul.f32 v39, v31  }
0x47: {  	v22 =	vadd.f32 v26, v29;
	v28 =	vld.idx.msk [tilespmem:v41+s13+$0x0], $0xffff;
	v39 =	vor.u32 v17, v36;
	v40 =	vmul.f32 v40, v43  }
0x48: {  	v36 =	vor.u32 v17, v44;
	v26 =	vadd.f32 v31, v29;
	v31 =	vld.idx.msk [tilespmem:v41+s14+$0x0], $0xffff;
	v41 =	vmul.f32 v30, v21  }
0x49: {  	s16 =	simm.s32 $0x10;
	v34 =	vld.idx.msk [tilespmem:v38+s13+$0x0], $0xffff;
	v21 =	vimm.f32 $0.0e+00;
	v30 =	vadd.f32 v40, v29;
	v40 =	vor.u32 v17, v42  }
.LBB2_3:
0x4a: {  	v42 =	vadd.s32 s16, v2;
	v43 =	vadd.s32 s16, v4;
	p0 =	sne.s32 s16, $0x70;
	v38 =	vld.idx.msk [tilespmem:v38+s14+$0x0], $0xffff;
	v35 =	vmul.f32 v35, v37;
	s18 =	smov.u32 s16;
	s16 =	sadd.s32 $0x10, s16  }
0x4b: {  	v37 =	vand.u32 $0x7F, v42;
	v42 =	vadd.s32 s18, v5;
	v29 =	vadd.f32 v41, v29;
	v23 =	vld.idx.msk [tilespmem:v23+s14+$0x0], $0xffff  }
0x4c: {  	v41 =	vadd.s32 s18, v3;
	v44 =	vadd.s32 s18, v16;
	v37 =	vor.u32 v17, v37;
	v45 =	vld.idx.msk [tilespmem:v39+s13+$0x0], $0xffff  }
0x4d: {  	v46 =	vadd.s32 s18, v10;
	v41 =	vand.u32 $0x7F, v41;
	v42 =	vand.u32 $0x7F, v42;
	v39 =	vld.idx.msk [tilespmem:v39+s14+$0x0], $0xffff  }
0x4e: {  	v46 =	vand.u32 $0x7F, v46;
	v41 =	vor.u32 v17, v41;
	v42 =	vor.u32 v17, v42;
	v47 =	vld.idx.msk [tilespmem:v40+s13+$0x0], $0xffff  }
0x4f: {  	v43 =	vand.u32 $0x7F, v43;
	v48 =	vadd.s32 s18, v13;
	v49 =	vadd.s32 s18, v14;
	v40 =	vld.idx.msk [tilespmem:v40+s14+$0x0], $0xffff  }
0x50: {  	v43 =	vor.u32 v17, v43;
	v48 =	vand.u32 $0x7F, v48;
	v49 =	vand.u32 $0x7F, v49;
	v50 =	vld.idx.msk [tilespmem:v20+s13+$0x0], $0xffff  }
0x51: {  	v51 =	vadd.s32 s18, v7;
	v52 =	vadd.s32 s18, v12;
	v32 =	vmul.f32 v33, v32;
	v33 =	vld.idx.msk [tilespmem:v36+s13+$0x0], $0xffff  }
0x52: {  	v53 =	vadd.s32 s18, v6;
	v46 =	vor.u32 v17, v46;
	v49 =	vor.u32 v17, v49;
	v36 =	vld.idx.msk [tilespmem:v36+s14+$0x0], $0xffff  }
0x53: {  	v54 =	vor.u32 s18, v18;
	v56 =	vadd.s32 s18, v11;
	v53 =	vand.u32 $0x7F, v53;
	v55 =	vld.idx.msk [tilespmem:v41+s13+$0x0], $0xffff  }
0x54: {  	v51 =	vand.u32 $0x7F, v51;
	v53 =	vor.u32 v17, v53;
	v39 =	vmul.f32 v39, v45;
	v57 =	vld.idx.msk [tilespmem:v20+s14+$0x0], $0xffff;
	v20 =	vmovc v46  }
0x55: {  	v34 =	vmul.f32 v38, v34;
	v46 =	vor.u32 v17, v51;
	v51 =	vadd.s32 s18, v8;
	v45 =	vld.idx.msk [tilespmem:v42+s14+$0x0], $0xffff  }
0x56: {  	v40 =	vmul.f32 v40, v47;
	v38 =	vld.idx.msk [tilespmem:v42+s13+$0x0], $0xffff;
	v42 =	vand.u32 $0x7F, v51;
	v51 =	vand.u32 $0x7F, v56  }
0x57: {  	v52 =	vand.u32 $0x7F, v52;
	v19 =	vmul.f32 v23, v19;
	v22 =	vadd.f32 v39, v22;
	v47 =	vld.idx.msk [tilespmem:v37+s14+$0x0], $0xffff  }
0x58: {  	v27 =	vadd.f32 v34, v27;
	v24 =	vadd.f32 v40, v24;
	v23 =	vor.u32 v17, v42;
	v39 =	vld.idx.msk [tilespmem:v54+s13+$0x0], $0xffff  }
0x59: {  	v28 =	vmul.f32 v31, v28;
	v26 =	vadd.f32 v32, v26;
	v31 =	vmul.f32 v36, v33;
	v34 =	vld.idx.msk [tilespmem:v54+s14+$0x0], $0xffff  }
0x5a: {  	v30 =	vadd.f32 v35, v30;
	v19 =	vadd.f32 v19, v21;
	v21 =	vmul.f32 v57, v50;
	v32 =	vld.idx.msk [tilespmem:v46+s13+$0x0], $0xffff  }
0x5b: {  	v25 =	vadd.f32 v28, v25;
	v36 =	vand.u32 $0x7F, v44;
	v33 =	vld.idx.msk [tilespmem:v41+s14+$0x0], $0xffff  }
0x5c: {  	v28 =	vmul.f32 v45, v38;
	v29 =	vadd.f32 v21, v29;
	v21 =	vadd.f32 v31, v19;
	v35 =	vld.idx.msk [tilespmem:v46+s14+$0x0], $0xffff  }
0x5d: {  	v19 =	vld.idx.msk [tilespmem:v23+s13+$0x0], $0xffff  }
0x5e: {  	v22 =	vadd.f32 v28, v22;
	v31 =	vld.idx.msk [tilespmem:v43+s14+$0x0], $0xffff  }
0x5f: {  	v34 =	vmul.f32 v34, v39;
	v28 =	vld.idx.msk [tilespmem:v43+s13+$0x0], $0xffff  }
0x60: {  	v40 =	vor.u32 v17, v52;
	v38 =	vadd.s32 s18, v9;
	v39 =	vld.idx.msk [tilespmem:v53+s14+$0x0], $0xffff  }
0x61: {  	v38 =	vand.u32 $0x7F, v38;
	v41 =	vld.idx.msk [tilespmem:v53+s13+$0x0], $0xffff  }
0x62: {  	v42 =	vor.u32 v17, v38;
	v32 =	vmul.f32 v35, v32;
	v35 =	vld.idx.msk [tilespmem:v49+s14+$0x0], $0xffff  }
0x63: {  	v43 =	vld.idx.msk [tilespmem:v37+s13+$0x0], $0xffff  }
0x64: {  	v38 =	vor.u32 v17, v51;
	v33 =	vmul.f32 v33, v55;
	v24 =	vadd.f32 v32, v24;
	v37 =	vld.idx.msk [tilespmem:v49+s13+$0x0], $0xffff  }
.Ltmp0:
0x65: {  	v28 =	vmul.f32 v31, v28;
	v32 =	vld.idx.msk [tilespmem:v40+s13+$0x0], $0xffff;
	(pc) =	sbr.rel @p0 .LBB2_3-.Ltmp0, $4  }
0x66: {  	v27 =	vadd.f32 v33, v27;
	v33 =	vld.idx.msk [tilespmem:v40+s14+$0x0], $0xffff;
	v40 =	vadd.s32 s18, v15  }
0x67: {  	v26 =	vadd.f32 v28, v26;
	v44 =	vmul.f32 v39, v41;
	v39 =	vor.u32 v17, v48;
	v28 =	vld.idx.msk [tilespmem:v42+s13+$0x0], $0xffff  }
0x68: {  	v36 =	vor.u32 v17, v36;
	v25 =	vadd.f32 v34, v25;
	v40 =	vand.u32 $0x7F, v40;
	v31 =	vld.idx.msk [tilespmem:v42+s14+$0x0], $0xffff  }
0x69: {  	v41 =	vmul.f32 v47, v43;
	v30 =	vadd.f32 v44, v30;
	v40 =	vor.u32 v17, v40;
	v34 =	vld.idx.msk [tilespmem:v38+s13+$0x0], $0xffff  }
0x6a: {  	_ =	sdelay $0x3  }
0x6b: {  	v17 =	vld.idx.msk [tilespmem:v38+s14+$0x0], $0xffff  }
0x6c: {  	v18 =	vld.idx.msk [tilespmem:v23+s14+$0x0], $0xffff  }
0x6d: {  	v51 =	vld.idx.msk [tilespmem:v39+s13+$0x0], $0xffff  }
0x6e: {  	v52 =	vld.idx.msk [tilespmem:v39+s14+$0x0], $0xffff  }
0x6f: {  	v53 =	vld.idx.msk [tilespmem:v40+s13+$0x0], $0xffff  }
0x70: {  	v54 =	vld.idx.msk [tilespmem:v40+s14+$0x0], $0xffff  }
0x71: {  	v42 =	vld.idx.msk [tilespmem:v20+s13+$0x0], $0xffff  }
0x72: {  	v43 =	vld.idx.msk [tilespmem:v36+s13+$0x0], $0xffff  }
0x73: {  	v55 =	vld.idx.msk [tilespmem:v20+s14+$0x0], $0xffff  }
0x74: {  	v35 =	vmul.f32 v35, v37;
	v56 =	vld.idx.msk [tilespmem:v36+s14+$0x0], $0xffff  }
0x75: {  	v29 =	vadd.f32 v41, v29;
	v32 =	vmul.f32 v33, v32  }
0x76: {  	v63 =	vadd.f32 v35, v30;
	v59 =	vmul.f32 v31, v28;
	v23 =	vmul.f32 v52, v51  }
0x77: {  	v60 =	vadd.f32 v32, v26;
	v17 =	vmul.f32 v17, v34;
	v18 =	vmul.f32 v18, v19  }
0x78: {  	v57 =	vmul.f32 v54, v53;
	v20 =	vmul.f32 v55, v42;
	v62 =	vadd.f32 v59, v25  }
0x79: {  	v61 =	vmul.f32 v56, v43;
	v19 =	vadd.f32 v23, v22;
	v18 =	vadd.f32 v18, v21  }
0x7a: {  	v17 =	vadd.f32 v17, v27;
	v20 =	vadd.f32 v20, v29  }
0x7b: {  	v58 =	vadd.f32 v57, v24;
	v18 =	vadd.f32 v61, v18  }
0x7c: {  	v20 =	vadd.f32 v20, v62;
	v17 =	vadd.f32 v60, v17  }
0x7d: {  	s0 =	sadd.s32 $0x1, s0;
	v19 =	vadd.f32 v63, v19;
	v18 =	vadd.f32 v18, v58  }
0x7e: {  	p0 =	sne.s32 s0, $0x8  }
.Ltmp1:
0x7f: {  	v17 =	vadd.f32 v17, v20;
	v18 =	vadd.f32 v18, v19;
	(pc) =	sbr.rel @p0 .LBB2_2-.Ltmp1, $3  }
0x80: {  	_ = 	snop  }
0x81: {  	v17 =	vadd.f32 v18, v17;
	_ =	sdelay $0x1  }
0x82: {  	[tilespmem:s3+$0x18400] =	vst v17  }
0x83: {  	[tilespmem:s13], [sflag:$0x1] =	stream.indirect.gather [hbm4b:s1+s12], $0x80, s22, s12, $0xb8;
	[tilespmem:$0x18600] =	vst v63  }
0x84: {  	_ = 	snop  }
0x85: {  	[tilespmem:s14], [sflag:$0x4] =	stream.indirect.gather [hbm4b:s2+s12], $0x80, s23, s12, $0xb8;
	[tilespmem:$0x18600] =	vst v63  }
0x86: {  	_ =	swait.ge [sflag:s24], $0x4000  }
0x87: {  	[sflag:s24] =	ssyncset.done $0x0  }
0x88: {  	[sflag:s24] =	ssyncadd.s32 $0xFFFFC000  }
0x89: {  	_ =	swait.ge [sflag:s25], $0x4000  }
0x8a: {  	[sflag:s25] =	ssyncset.done $0x0  }
0x8b: {  	s0 =	simm.s32 $0x0;
	s3 =	simm.s32 $0x0;
	[sflag:s25] =	ssyncadd.s32 $0xFFFFC000  }
.LBB2_6:
0x8c: {  	s16 =	sshll.u32 s3, $0x4  }
0x8d: {  	v17 =	vmov s16  }
0x8e: {  	v18 =	vadd.s32 s0, v3;
	v17 =	vshll.u32 v17, $0x7  }
0x8f: {  	v19 =	vadd.s32 s0, v5;
	v18 =	vand.u32 $0x7F, v18;
	v17 =	vor.u32 v1, v17  }
0x90: {  	v19 =	vand.u32 $0x7F, v19;
	v20 =	vor.u32 v17, v18  }
0x91: {  	v22 =	vadd.s32 s0, v7;
	v19 =	vor.u32 v17, v19  }
0x92: {  	v22 =	vand.u32 $0x7F, v22  }
0x93: {  	v22 =	vor.u32 v17, v22  }
0x94: {  	v18 =	vadd.s32 s0, v2  }
0x95: {  	v21 =	vand.u32 $0x7F, v18;
	v25 =	vld.idx.msk [tilespmem:v20+s15+$0x0], $0xffff  }
0x96: {  	v18 =	vor.u32 v0, v17;
	v21 =	vor.u32 v17, v21;
	v26 =	vld.idx.msk [tilespmem:v19+s17+$0x0], $0xffff  }
0x97: {  	v24 =	vor.u32 s0, v18;
	v27 =	vld.idx.msk [tilespmem:v19+s15+$0x0], $0xffff  }
0x98: {  	v23 =	vadd.s32 s0, v8;
	v32 =	vld.idx.msk [tilespmem:v22+s15+$0x0], $0xffff  }
0x99: {  	v23 =	vand.u32 $0x7F, v23;
	v19 =	vadd.s32 s0, v4;
	v34 =	vld.idx.msk [tilespmem:v20+s17+$0x0], $0xffff  }
0x9a: {  	v23 =	vor.u32 v17, v23;
	v20 =	vld.idx.msk [tilespmem:v22+s17+$0x0], $0xffff;
	v19 =	vand.u32 $0x7F, v19  }
0x9b: {  	v30 =	vld.idx.msk [tilespmem:v21+s17+$0x0], $0xffff;
	v31 =	vor.u32 v17, v19;
	v19 =	vadd.s32 s0, v6  }
0x9c: {  	v28 =	vld.idx.msk [tilespmem:v24+s15+$0x0], $0xffff;
	v19 =	vand.u32 $0x7F, v19  }
0x9d: {  	v29 =	vadd.s32 s0, v14;
	v36 =	vadd.s32 s0, v12;
	v24 =	vld.idx.msk [tilespmem:v24+s17+$0x0], $0xffff;
	v33 =	vor.u32 v17, v19  }
0x9e: {  	v59 =	vand.u32 $0x7F, v36;
	v21 =	vld.idx.msk [tilespmem:v21+s15+$0x0], $0xffff;
	v19 =	vand.u32 $0x7F, v29  }
0x9f: {  	v42 =	vor.u32 v17, v59;
	v22 =	vor.u32 v17, v19;
	v19 =	vld.idx.msk [tilespmem:v23+s15+$0x0], $0xffff  }
0xa0: {  	v35 =	vadd.s32 s0, v10;
	v37 =	vadd.s32 s0, v16;
	v60 =	vadd.s32 s0, v13;
	v39 =	vld.idx.msk [tilespmem:v31+s17+$0x0], $0xffff  }
0xa1: {  	v41 =	vadd.s32 s0, v9;
	v61 =	vadd.s32 s0, v11;
	v38 =	vand.u32 $0x7F, v35;
	v31 =	vld.idx.msk [tilespmem:v31+s15+$0x0], $0xffff  }
0xa2: {  	v26 =	vmul.f32 v26, v27;
	v27 =	vand.u32 $0x7F, v41;
	v32 =	vmul.f32 v20, v32;
	v40 =	vld.idx.msk [tilespmem:v33+s17+$0x0], $0xffff  }
0xa3: {  	v29 =	vimm.f32 $0.0e+00;
	v25 =	vmul.f32 v34, v25;
	v41 =	vor.u32 v17, v27;
	v43 =	vld.idx.msk [tilespmem:v33+s15+$0x0], $0xffff  }
0xa4: {  	v27 =	vand.u32 $0x7F, v61;
	v62 =	vmul.f32 v24, v28;
	v24 =	vadd.f32 v32, v29;
	v32 =	vld.idx.msk [tilespmem:v42+s15+$0x0], $0xffff  }
0xa5: {  	v63 =	vadd.s32 s0, v15;
	v20 =	vor.u32 v17, v38;
	v38 =	vor.u32 v17, v27;
	v35 =	vld.idx.msk [tilespmem:v22+s17+$0x0], $0xffff  }
0xa6: {  	v36 =	vand.u32 $0x7F, v60;
	v44 =	vand.u32 $0x7F, v37;
	v27 =	vadd.f32 v25, v29;
	v37 =	vld.idx.msk [tilespmem:v22+s15+$0x0], $0xffff  }
0xa7: {  	v33 =	vld.idx.msk [tilespmem:v42+s17+$0x0], $0xffff;
	v25 =	vadd.f32 v62, v29;
	v42 =	vand.u32 $0x7F, v63;
	v31 =	vmul.f32 v39, v31  }
0xa8: {  	v22 =	vadd.f32 v26, v29;
	v28 =	vld.idx.msk [tilespmem:v41+s15+$0x0], $0xffff;
	v39 =	vor.u32 v17, v36;
	v40 =	vmul.f32 v40, v43  }
0xa9: {  	v36 =	vor.u32 v17, v44;
	v26 =	vadd.f32 v31, v29;
	v31 =	vld.idx.msk [tilespmem:v41+s17+$0x0], $0xffff;
	v41 =	vmul.f32 v30, v21  }
0xaa: {  	s18 =	simm.s32 $0x10;
	v34 =	vld.idx.msk [tilespmem:v38+s15+$0x0], $0xffff;
	v21 =	vimm.f32 $0.0e+00;
	v30 =	vadd.f32 v40, v29;
	v40 =	vor.u32 v17, v42  }
.LBB2_7:
0xab: {  	v42 =	vadd.s32 s18, v2;
	v43 =	vadd.s32 s18, v4;
	p0 =	sne.s32 s18, $0x70;
	v38 =	vld.idx.msk [tilespmem:v38+s17+$0x0], $0xffff;
	v35 =	vmul.f32 v35, v37;
	s20 =	smov.u32 s18;
	s18 =	sadd.s32 $0x10, s18  }
0xac: {  	v37 =	vand.u32 $0x7F, v42;
	v42 =	vadd.s32 s20, v5;
	v29 =	vadd.f32 v41, v29;
	v23 =	vld.idx.msk [tilespmem:v23+s17+$0x0], $0xffff  }
0xad: {  	v41 =	vadd.s32 s20, v3;
	v44 =	vadd.s32 s20, v16;
	v37 =	vor.u32 v17, v37;
	v45 =	vld.idx.msk [tilespmem:v39+s15+$0x0], $0xffff  }
0xae: {  	v46 =	vadd.s32 s20, v10;
	v41 =	vand.u32 $0x7F, v41;
	v42 =	vand.u32 $0x7F, v42;
	v39 =	vld.idx.msk [tilespmem:v39+s17+$0x0], $0xffff  }
0xaf: {  	v46 =	vand.u32 $0x7F, v46;
	v41 =	vor.u32 v17, v41;
	v42 =	vor.u32 v17, v42;
	v47 =	vld.idx.msk [tilespmem:v40+s15+$0x0], $0xffff  }
0xb0: {  	v43 =	vand.u32 $0x7F, v43;
	v48 =	vadd.s32 s20, v13;
	v49 =	vadd.s32 s20, v14;
	v40 =	vld.idx.msk [tilespmem:v40+s17+$0x0], $0xffff  }
0xb1: {  	v43 =	vor.u32 v17, v43;
	v48 =	vand.u32 $0x7F, v48;
	v49 =	vand.u32 $0x7F, v49;
	v50 =	vld.idx.msk [tilespmem:v20+s15+$0x0], $0xffff  }
0xb2: {  	v51 =	vadd.s32 s20, v7;
	v52 =	vadd.s32 s20, v12;
	v32 =	vmul.f32 v33, v32;
	v33 =	vld.idx.msk [tilespmem:v36+s15+$0x0], $0xffff  }
0xb3: {  	v53 =	vadd.s32 s20, v6;
	v46 =	vor.u32 v17, v46;
	v49 =	vor.u32 v17, v49;
	v36 =	vld.idx.msk [tilespmem:v36+s17+$0x0], $0xffff  }
0xb4: {  	v54 =	vor.u32 s20, v18;
	v56 =	vadd.s32 s20, v11;
	v53 =	vand.u32 $0x7F, v53;
	v55 =	vld.idx.msk [tilespmem:v41+s15+$0x0], $0xffff  }
0xb5: {  	v51 =	vand.u32 $0x7F, v51;
	v53 =	vor.u32 v17, v53;
	v39 =	vmul.f32 v39, v45;
	v57 =	vld.idx.msk [tilespmem:v20+s17+$0x0], $0xffff;
	v20 =	vmovc v46  }
0xb6: {  	v34 =	vmul.f32 v38, v34;
	v46 =	vor.u32 v17, v51;
	v51 =	vadd.s32 s20, v8;
	v45 =	vld.idx.msk [tilespmem:v42+s17+$0x0], $0xffff  }
0xb7: {  	v40 =	vmul.f32 v40, v47;
	v38 =	vld.idx.msk [tilespmem:v42+s15+$0x0], $0xffff;
	v42 =	vand.u32 $0x7F, v51;
	v51 =	vand.u32 $0x7F, v56  }
0xb8: {  	v52 =	vand.u32 $0x7F, v52;
	v19 =	vmul.f32 v23, v19;
	v22 =	vadd.f32 v39, v22;
	v47 =	vld.idx.msk [tilespmem:v37+s17+$0x0], $0xffff  }
0xb9: {  	v27 =	vadd.f32 v34, v27;
	v24 =	vadd.f32 v40, v24;
	v23 =	vor.u32 v17, v42;
	v39 =	vld.idx.msk [tilespmem:v54+s15+$0x0], $0xffff  }
0xba: {  	v28 =	vmul.f32 v31, v28;
	v26 =	vadd.f32 v32, v26;
	v31 =	vmul.f32 v36, v33;
	v34 =	vld.idx.msk [tilespmem:v54+s17+$0x0], $0xffff  }
0xbb: {  	v30 =	vadd.f32 v35, v30;
	v19 =	vadd.f32 v19, v21;
	v21 =	vmul.f32 v57, v50;
	v32 =	vld.idx.msk [tilespmem:v46+s15+$0x0], $0xffff  }
0xbc: {  	v25 =	vadd.f32 v28, v25;
	v36 =	vand.u32 $0x7F, v44;
	v33 =	vld.idx.msk [tilespmem:v41+s17+$0x0], $0xffff  }
0xbd: {  	v28 =	vmul.f32 v45, v38;
	v29 =	vadd.f32 v21, v29;
	v21 =	vadd.f32 v31, v19;
	v35 =	vld.idx.msk [tilespmem:v46+s17+$0x0], $0xffff  }
0xbe: {  	v19 =	vld.idx.msk [tilespmem:v23+s15+$0x0], $0xffff  }
0xbf: {  	v22 =	vadd.f32 v28, v22;
	v31 =	vld.idx.msk [tilespmem:v43+s17+$0x0], $0xffff  }
0xc0: {  	v34 =	vmul.f32 v34, v39;
	v28 =	vld.idx.msk [tilespmem:v43+s15+$0x0], $0xffff  }
0xc1: {  	v40 =	vor.u32 v17, v52;
	v38 =	vadd.s32 s20, v9;
	v39 =	vld.idx.msk [tilespmem:v53+s17+$0x0], $0xffff  }
0xc2: {  	v38 =	vand.u32 $0x7F, v38;
	v41 =	vld.idx.msk [tilespmem:v53+s15+$0x0], $0xffff  }
0xc3: {  	v42 =	vor.u32 v17, v38;
	v32 =	vmul.f32 v35, v32;
	v35 =	vld.idx.msk [tilespmem:v49+s17+$0x0], $0xffff  }
0xc4: {  	v43 =	vld.idx.msk [tilespmem:v37+s15+$0x0], $0xffff  }
0xc5: {  	v38 =	vor.u32 v17, v51;
	v33 =	vmul.f32 v33, v55;
	v24 =	vadd.f32 v32, v24;
	v37 =	vld.idx.msk [tilespmem:v49+s15+$0x0], $0xffff  }
.Ltmp2:
0xc6: {  	v28 =	vmul.f32 v31, v28;
	v32 =	vld.idx.msk [tilespmem:v40+s15+$0x0], $0xffff;
	(pc) =	sbr.rel @p0 .LBB2_7-.Ltmp2, $4  }
0xc7: {  	v27 =	vadd.f32 v33, v27;
	v33 =	vld.idx.msk [tilespmem:v40+s17+$0x0], $0xffff;
	v40 =	vadd.s32 s20, v15  }
0xc8: {  	v26 =	vadd.f32 v28, v26;
	v44 =	vmul.f32 v39, v41;
	v39 =	vor.u32 v17, v48;
	v28 =	vld.idx.msk [tilespmem:v42+s15+$0x0], $0xffff  }
0xc9: {  	v36 =	vor.u32 v17, v36;
	v25 =	vadd.f32 v34, v25;
	v40 =	vand.u32 $0x7F, v40;
	v31 =	vld.idx.msk [tilespmem:v42+s17+$0x0], $0xffff  }
0xca: {  	v41 =	vmul.f32 v47, v43;
	v30 =	vadd.f32 v44, v30;
	v40 =	vor.u32 v17, v40;
	v34 =	vld.idx.msk [tilespmem:v38+s15+$0x0], $0xffff  }
0xcb: {  	_ =	sdelay $0x3  }
0xcc: {  	v17 =	vld.idx.msk [tilespmem:v38+s17+$0x0], $0xffff  }
0xcd: {  	v18 =	vld.idx.msk [tilespmem:v23+s17+$0x0], $0xffff  }
0xce: {  	v51 =	vld.idx.msk [tilespmem:v39+s15+$0x0], $0xffff  }
0xcf: {  	v52 =	vld.idx.msk [tilespmem:v39+s17+$0x0], $0xffff  }
0xd0: {  	v53 =	vld.idx.msk [tilespmem:v40+s15+$0x0], $0xffff  }
0xd1: {  	v54 =	vld.idx.msk [tilespmem:v40+s17+$0x0], $0xffff  }
0xd2: {  	v42 =	vld.idx.msk [tilespmem:v20+s15+$0x0], $0xffff  }
0xd3: {  	v43 =	vld.idx.msk [tilespmem:v36+s15+$0x0], $0xffff  }
0xd4: {  	v55 =	vld.idx.msk [tilespmem:v20+s17+$0x0], $0xffff  }
0xd5: {  	v35 =	vmul.f32 v35, v37;
	v56 =	vld.idx.msk [tilespmem:v36+s17+$0x0], $0xffff  }
0xd6: {  	v29 =	vadd.f32 v41, v29;
	v32 =	vmul.f32 v33, v32  }
0xd7: {  	v63 =	vadd.f32 v35, v30;
	v59 =	vmul.f32 v31, v28;
	v23 =	vmul.f32 v52, v51  }
0xd8: {  	v60 =	vadd.f32 v32, v26;
	v17 =	vmul.f32 v17, v34;
	v18 =	vmul.f32 v18, v19  }
0xd9: {  	v57 =	vmul.f32 v54, v53;
	v20 =	vmul.f32 v55, v42;
	v62 =	vadd.f32 v59, v25  }
0xda: {  	v61 =	vmul.f32 v56, v43;
	v19 =	vadd.f32 v23, v22;
	v18 =	vadd.f32 v18, v21  }
0xdb: {  	v17 =	vadd.f32 v17, v27;
	v20 =	vadd.f32 v20, v29  }
0xdc: {  	v58 =	vadd.f32 v57, v24;
	v18 =	vadd.f32 v61, v18  }
0xdd: {  	v20 =	vadd.f32 v20, v62;
	v17 =	vadd.f32 v60, v17  }
0xde: {  	s3 =	sadd.s32 $0x1, s3;
	v19 =	vadd.f32 v63, v19;
	v18 =	vadd.f32 v18, v58  }
0xdf: {  	p0 =	sne.s32 s3, $0x8  }
.Ltmp3:
0xe0: {  	v17 =	vadd.f32 v17, v20;
	v18 =	vadd.f32 v18, v19;
	(pc) =	sbr.rel @p0 .LBB2_6-.Ltmp3, $3  }
0xe1: {  	_ = 	snop  }
0xe2: {  	v17 =	vadd.f32 v18, v17;
	_ =	sdelay $0x1  }
0xe3: {  	[tilespmem:s16+$0x18480] =	vst v17  }
0xe4: {  	_ =	swait.ge [sflag:s26], $0x4000  }
0xe5: {  	[sflag:s26] =	ssyncset.done $0x0  }
0xe6: {  	[sflag:s26] =	ssyncadd.s32 $0xFFFFC000  }
0xe7: {  	_ =	swait.ge [sflag:s28], $0x4000  }
0xe8: {  	[sflag:s28] =	ssyncset.done $0x0  }
0xe9: {  	s0 =	simm.s32 $0x0;
	s3 =	simm.s32 $0x0;
	[sflag:s28] =	ssyncadd.s32 $0xFFFFC000  }
.LBB2_10:
0xea: {  	s16 =	sshll.u32 s3, $0x4  }
0xeb: {  	v17 =	vmov s16  }
0xec: {  	v18 =	vadd.s32 s0, v3;
	v17 =	vshll.u32 v17, $0x7  }
0xed: {  	v19 =	vadd.s32 s0, v5;
	v18 =	vand.u32 $0x7F, v18;
	v17 =	vor.u32 v1, v17  }
0xee: {  	v19 =	vand.u32 $0x7F, v19;
	v20 =	vor.u32 v17, v18  }
0xef: {  	v22 =	vadd.s32 s0, v7;
	v19 =	vor.u32 v17, v19  }
0xf0: {  	v22 =	vand.u32 $0x7F, v22  }
0xf1: {  	v22 =	vor.u32 v17, v22  }
0xf2: {  	v18 =	vadd.s32 s0, v2  }
0xf3: {  	v21 =	vand.u32 $0x7F, v18;
	v25 =	vld.idx.msk [tilespmem:v20+s19+$0x0], $0xffff  }
0xf4: {  	v18 =	vor.u32 v0, v17;
	v21 =	vor.u32 v17, v21;
	v26 =	vld.idx.msk [tilespmem:v19+s21+$0x0], $0xffff  }
0xf5: {  	v24 =	vor.u32 s0, v18;
	v27 =	vld.idx.msk [tilespmem:v19+s19+$0x0], $0xffff  }
0xf6: {  	v23 =	vadd.s32 s0, v8;
	v32 =	vld.idx.msk [tilespmem:v22+s19+$0x0], $0xffff  }
0xf7: {  	v23 =	vand.u32 $0x7F, v23;
	v19 =	vadd.s32 s0, v4;
	v34 =	vld.idx.msk [tilespmem:v20+s21+$0x0], $0xffff  }
0xf8: {  	v23 =	vor.u32 v17, v23;
	v20 =	vld.idx.msk [tilespmem:v22+s21+$0x0], $0xffff;
	v19 =	vand.u32 $0x7F, v19  }
0xf9: {  	v30 =	vld.idx.msk [tilespmem:v21+s21+$0x0], $0xffff;
	v31 =	vor.u32 v17, v19;
	v19 =	vadd.s32 s0, v6  }
0xfa: {  	v28 =	vld.idx.msk [tilespmem:v24+s19+$0x0], $0xffff;
	v19 =	vand.u32 $0x7F, v19  }
0xfb: {  	v29 =	vadd.s32 s0, v14;
	v36 =	vadd.s32 s0, v12;
	v24 =	vld.idx.msk [tilespmem:v24+s21+$0x0], $0xffff;
	v33 =	vor.u32 v17, v19  }
0xfc: {  	v59 =	vand.u32 $0x7F, v36;
	v21 =	vld.idx.msk [tilespmem:v21+s19+$0x0], $0xffff;
	v19 =	vand.u32 $0x7F, v29  }
0xfd: {  	v42 =	vor.u32 v17, v59;
	v22 =	vor.u32 v17, v19;
	v19 =	vld.idx.msk [tilespmem:v23+s19+$0x0], $0xffff  }
0xfe: {  	v35 =	vadd.s32 s0, v10;
	v37 =	vadd.s32 s0, v16;
	v60 =	vadd.s32 s0, v13;
	v39 =	vld.idx.msk [tilespmem:v31+s21+$0x0], $0xffff  }
0xff: {  	v41 =	vadd.s32 s0, v9;
	v61 =	vadd.s32 s0, v11;
	v38 =	vand.u32 $0x7F, v35;
	v31 =	vld.idx.msk [tilespmem:v31+s19+$0x0], $0xffff  }
0x100: {  	v26 =	vmul.f32 v26, v27;
	v27 =	vand.u32 $0x7F, v41;
	v32 =	vmul.f32 v20, v32;
	v40 =	vld.idx.msk [tilespmem:v33+s21+$0x0], $0xffff  }
0x101: {  	v29 =	vimm.f32 $0.0e+00;
	v25 =	vmul.f32 v34, v25;
	v41 =	vor.u32 v17, v27;
	v43 =	vld.idx.msk [tilespmem:v33+s19+$0x0], $0xffff  }
0x102: {  	v27 =	vand.u32 $0x7F, v61;
	v62 =	vmul.f32 v24, v28;
	v24 =	vadd.f32 v32, v29;
	v32 =	vld.idx.msk [tilespmem:v42+s19+$0x0], $0xffff  }
0x103: {  	v63 =	vadd.s32 s0, v15;
	v20 =	vor.u32 v17, v38;
	v38 =	vor.u32 v17, v27;
	v35 =	vld.idx.msk [tilespmem:v22+s21+$0x0], $0xffff  }
0x104: {  	v36 =	vand.u32 $0x7F, v60;
	v44 =	vand.u32 $0x7F, v37;
	v27 =	vadd.f32 v25, v29;
	v37 =	vld.idx.msk [tilespmem:v22+s19+$0x0], $0xffff  }
0x105: {  	v33 =	vld.idx.msk [tilespmem:v42+s21+$0x0], $0xffff;
	v25 =	vadd.f32 v62, v29;
	v42 =	vand.u32 $0x7F, v63;
	v31 =	vmul.f32 v39, v31  }
0x106: {  	v22 =	vadd.f32 v26, v29;
	v28 =	vld.idx.msk [tilespmem:v41+s19+$0x0], $0xffff;
	v39 =	vor.u32 v17, v36;
	v40 =	vmul.f32 v40, v43  }
0x107: {  	v36 =	vor.u32 v17, v44;
	v26 =	vadd.f32 v31, v29;
	v31 =	vld.idx.msk [tilespmem:v41+s21+$0x0], $0xffff;
	v41 =	vmul.f32 v30, v21  }
0x108: {  	s18 =	simm.s32 $0x10;
	v34 =	vld.idx.msk [tilespmem:v38+s19+$0x0], $0xffff;
	v21 =	vimm.f32 $0.0e+00;
	v30 =	vadd.f32 v40, v29;
	v40 =	vor.u32 v17, v42  }
.LBB2_11:
0x109: {  	v42 =	vadd.s32 s18, v2;
	v43 =	vadd.s32 s18, v4;
	p0 =	sne.s32 s18, $0x70;
	v38 =	vld.idx.msk [tilespmem:v38+s21+$0x0], $0xffff;
	v35 =	vmul.f32 v35, v37;
	s20 =	smov.u32 s18;
	s18 =	sadd.s32 $0x10, s18  }
0x10a: {  	v37 =	vand.u32 $0x7F, v42;
	v42 =	vadd.s32 s20, v5;
	v29 =	vadd.f32 v41, v29;
	v23 =	vld.idx.msk [tilespmem:v23+s21+$0x0], $0xffff  }
0x10b: {  	v41 =	vadd.s32 s20, v3;
	v44 =	vadd.s32 s20, v16;
	v37 =	vor.u32 v17, v37;
	v45 =	vld.idx.msk [tilespmem:v39+s19+$0x0], $0xffff  }
0x10c: {  	v46 =	vadd.s32 s20, v10;
	v41 =	vand.u32 $0x7F, v41;
	v42 =	vand.u32 $0x7F, v42;
	v39 =	vld.idx.msk [tilespmem:v39+s21+$0x0], $0xffff  }
0x10d: {  	v46 =	vand.u32 $0x7F, v46;
	v41 =	vor.u32 v17, v41;
	v42 =	vor.u32 v17, v42;
	v47 =	vld.idx.msk [tilespmem:v40+s19+$0x0], $0xffff  }
0x10e: {  	v43 =	vand.u32 $0x7F, v43;
	v48 =	vadd.s32 s20, v13;
	v49 =	vadd.s32 s20, v14;
	v40 =	vld.idx.msk [tilespmem:v40+s21+$0x0], $0xffff  }
0x10f: {  	v43 =	vor.u32 v17, v43;
	v48 =	vand.u32 $0x7F, v48;
	v49 =	vand.u32 $0x7F, v49;
	v50 =	vld.idx.msk [tilespmem:v20+s19+$0x0], $0xffff  }
0x110: {  	v51 =	vadd.s32 s20, v7;
	v52 =	vadd.s32 s20, v12;
	v32 =	vmul.f32 v33, v32;
	v33 =	vld.idx.msk [tilespmem:v36+s19+$0x0], $0xffff  }
0x111: {  	v53 =	vadd.s32 s20, v6;
	v46 =	vor.u32 v17, v46;
	v49 =	vor.u32 v17, v49;
	v36 =	vld.idx.msk [tilespmem:v36+s21+$0x0], $0xffff  }
0x112: {  	v54 =	vor.u32 s20, v18;
	v56 =	vadd.s32 s20, v11;
	v53 =	vand.u32 $0x7F, v53;
	v55 =	vld.idx.msk [tilespmem:v41+s19+$0x0], $0xffff  }
0x113: {  	v51 =	vand.u32 $0x7F, v51;
	v53 =	vor.u32 v17, v53;
	v39 =	vmul.f32 v39, v45;
	v57 =	vld.idx.msk [tilespmem:v20+s21+$0x0], $0xffff;
	v20 =	vmovc v46  }
0x114: {  	v34 =	vmul.f32 v38, v34;
	v46 =	vor.u32 v17, v51;
	v51 =	vadd.s32 s20, v8;
	v45 =	vld.idx.msk [tilespmem:v42+s21+$0x0], $0xffff  }
0x115: {  	v40 =	vmul.f32 v40, v47;
	v38 =	vld.idx.msk [tilespmem:v42+s19+$0x0], $0xffff;
	v42 =	vand.u32 $0x7F, v51;
	v51 =	vand.u32 $0x7F, v56  }
0x116: {  	v52 =	vand.u32 $0x7F, v52;
	v19 =	vmul.f32 v23, v19;
	v22 =	vadd.f32 v39, v22;
	v47 =	vld.idx.msk [tilespmem:v37+s21+$0x0], $0xffff  }
0x117: {  	v27 =	vadd.f32 v34, v27;
	v24 =	vadd.f32 v40, v24;
	v23 =	vor.u32 v17, v42;
	v39 =	vld.idx.msk [tilespmem:v54+s19+$0x0], $0xffff  }
0x118: {  	v28 =	vmul.f32 v31, v28;
	v26 =	vadd.f32 v32, v26;
	v31 =	vmul.f32 v36, v33;
	v34 =	vld.idx.msk [tilespmem:v54+s21+$0x0], $0xffff  }
0x119: {  	v30 =	vadd.f32 v35, v30;
	v19 =	vadd.f32 v19, v21;
	v21 =	vmul.f32 v57, v50;
	v32 =	vld.idx.msk [tilespmem:v46+s19+$0x0], $0xffff  }
0x11a: {  	v25 =	vadd.f32 v28, v25;
	v36 =	vand.u32 $0x7F, v44;
	v33 =	vld.idx.msk [tilespmem:v41+s21+$0x0], $0xffff  }
0x11b: {  	v28 =	vmul.f32 v45, v38;
	v29 =	vadd.f32 v21, v29;
	v21 =	vadd.f32 v31, v19;
	v35 =	vld.idx.msk [tilespmem:v46+s21+$0x0], $0xffff  }
0x11c: {  	v19 =	vld.idx.msk [tilespmem:v23+s19+$0x0], $0xffff  }
0x11d: {  	v22 =	vadd.f32 v28, v22;
	v31 =	vld.idx.msk [tilespmem:v43+s21+$0x0], $0xffff  }
0x11e: {  	v34 =	vmul.f32 v34, v39;
	v28 =	vld.idx.msk [tilespmem:v43+s19+$0x0], $0xffff  }
0x11f: {  	v40 =	vor.u32 v17, v52;
	v38 =	vadd.s32 s20, v9;
	v39 =	vld.idx.msk [tilespmem:v53+s21+$0x0], $0xffff  }
0x120: {  	v38 =	vand.u32 $0x7F, v38;
	v41 =	vld.idx.msk [tilespmem:v53+s19+$0x0], $0xffff  }
0x121: {  	v42 =	vor.u32 v17, v38;
	v32 =	vmul.f32 v35, v32;
	v35 =	vld.idx.msk [tilespmem:v49+s21+$0x0], $0xffff  }
0x122: {  	v43 =	vld.idx.msk [tilespmem:v37+s19+$0x0], $0xffff  }
0x123: {  	v38 =	vor.u32 v17, v51;
	v33 =	vmul.f32 v33, v55;
	v24 =	vadd.f32 v32, v24;
	v37 =	vld.idx.msk [tilespmem:v49+s19+$0x0], $0xffff  }
.Ltmp4:
0x124: {  	v28 =	vmul.f32 v31, v28;
	v32 =	vld.idx.msk [tilespmem:v40+s19+$0x0], $0xffff;
	(pc) =	sbr.rel @p0 .LBB2_11-.Ltmp4, $4  }
0x125: {  	v27 =	vadd.f32 v33, v27;
	v33 =	vld.idx.msk [tilespmem:v40+s21+$0x0], $0xffff;
	v40 =	vadd.s32 s20, v15  }
0x126: {  	v26 =	vadd.f32 v28, v26;
	v44 =	vmul.f32 v39, v41;
	v39 =	vor.u32 v17, v48;
	v28 =	vld.idx.msk [tilespmem:v42+s19+$0x0], $0xffff  }
0x127: {  	v36 =	vor.u32 v17, v36;
	v25 =	vadd.f32 v34, v25;
	v40 =	vand.u32 $0x7F, v40;
	v31 =	vld.idx.msk [tilespmem:v42+s21+$0x0], $0xffff  }
0x128: {  	v41 =	vmul.f32 v47, v43;
	v30 =	vadd.f32 v44, v30;
	v40 =	vor.u32 v17, v40;
	v34 =	vld.idx.msk [tilespmem:v38+s19+$0x0], $0xffff  }
0x129: {  	_ =	sdelay $0x3  }
0x12a: {  	v17 =	vld.idx.msk [tilespmem:v38+s21+$0x0], $0xffff  }
0x12b: {  	v18 =	vld.idx.msk [tilespmem:v23+s21+$0x0], $0xffff  }
0x12c: {  	v51 =	vld.idx.msk [tilespmem:v39+s19+$0x0], $0xffff  }
0x12d: {  	v52 =	vld.idx.msk [tilespmem:v39+s21+$0x0], $0xffff  }
0x12e: {  	v53 =	vld.idx.msk [tilespmem:v40+s19+$0x0], $0xffff  }
0x12f: {  	v54 =	vld.idx.msk [tilespmem:v40+s21+$0x0], $0xffff  }
0x130: {  	v42 =	vld.idx.msk [tilespmem:v20+s19+$0x0], $0xffff  }
0x131: {  	v43 =	vld.idx.msk [tilespmem:v36+s19+$0x0], $0xffff  }
0x132: {  	v55 =	vld.idx.msk [tilespmem:v20+s21+$0x0], $0xffff  }
0x133: {  	v35 =	vmul.f32 v35, v37;
	v56 =	vld.idx.msk [tilespmem:v36+s21+$0x0], $0xffff  }
0x134: {  	v29 =	vadd.f32 v41, v29;
	v32 =	vmul.f32 v33, v32  }
0x135: {  	v63 =	vadd.f32 v35, v30;
	v59 =	vmul.f32 v31, v28;
	v23 =	vmul.f32 v52, v51  }
0x136: {  	v60 =	vadd.f32 v32, v26;
	v17 =	vmul.f32 v17, v34;
	v18 =	vmul.f32 v18, v19  }
0x137: {  	v57 =	vmul.f32 v54, v53;
	v20 =	vmul.f32 v55, v42;
	v62 =	vadd.f32 v59, v25  }
0x138: {  	v61 =	vmul.f32 v56, v43;
	v19 =	vadd.f32 v23, v22;
	v18 =	vadd.f32 v18, v21  }
0x139: {  	v17 =	vadd.f32 v17, v27;
	v20 =	vadd.f32 v20, v29  }
0x13a: {  	v58 =	vadd.f32 v57, v24;
	v18 =	vadd.f32 v61, v18  }
0x13b: {  	v20 =	vadd.f32 v20, v62;
	v17 =	vadd.f32 v60, v17  }
0x13c: {  	s3 =	sadd.s32 $0x1, s3;
	v19 =	vadd.f32 v63, v19;
	v18 =	vadd.f32 v18, v58  }
0x13d: {  	p0 =	sne.s32 s3, $0x8  }
.Ltmp5:
0x13e: {  	v17 =	vadd.f32 v17, v20;
	v18 =	vadd.f32 v18, v19;
	(pc) =	sbr.rel @p0 .LBB2_10-.Ltmp5, $3  }
0x13f: {  	_ = 	snop  }
0x140: {  	v17 =	vadd.f32 v18, v17;
	_ =	sdelay $0x1  }
0x141: {  	[tilespmem:s16+$0x18500] =	vst v17  }
0x142: {  	_ =	swait.ge [sflag:s10], $0x4000  }
0x143: {  	[sflag:s10] =	ssyncset.done $0x0  }
0x144: {  	[sflag:s10] =	ssyncadd.s32 $0xFFFFC000  }
0x145: {  	_ =	swait.ge [sflag:s11], $0x4000  }
0x146: {  	[sflag:s11] =	ssyncset.done $0x0  }
0x147: {  	s0 =	simm.s32 $0x0;
	s3 =	simm.s32 $0x0;
	[sflag:s11] =	ssyncadd.s32 $0xFFFFC000  }
.LBB2_14:
0x148: {  	s16 =	sshll.u32 s3, $0x4  }
0x149: {  	v17 =	vmov s16  }
0x14a: {  	v18 =	vadd.s32 s0, v3;
	v17 =	vshll.u32 v17, $0x7  }
0x14b: {  	v19 =	vadd.s32 s0, v5;
	v18 =	vand.u32 $0x7F, v18;
	v17 =	vor.u32 v1, v17  }
0x14c: {  	v19 =	vand.u32 $0x7F, v19;
	v20 =	vor.u32 v17, v18  }
0x14d: {  	v22 =	vadd.s32 s0, v7;
	v19 =	vor.u32 v17, v19  }
0x14e: {  	v22 =	vand.u32 $0x7F, v22  }
0x14f: {  	v22 =	vor.u32 v17, v22  }
0x150: {  	v18 =	vadd.s32 s0, v2  }
0x151: {  	v21 =	vand.u32 $0x7F, v18;
	v25 =	vld.idx.msk [tilespmem:v20+s13+$0x0], $0xffff  }
0x152: {  	v18 =	vor.u32 v0, v17;
	v21 =	vor.u32 v17, v21;
	v26 =	vld.idx.msk [tilespmem:v19+s14+$0x0], $0xffff  }
0x153: {  	v24 =	vor.u32 s0, v18;
	v27 =	vld.idx.msk [tilespmem:v19+s13+$0x0], $0xffff  }
0x154: {  	v23 =	vadd.s32 s0, v8;
	v32 =	vld.idx.msk [tilespmem:v22+s13+$0x0], $0xffff  }
0x155: {  	v23 =	vand.u32 $0x7F, v23;
	v19 =	vadd.s32 s0, v4;
	v34 =	vld.idx.msk [tilespmem:v20+s14+$0x0], $0xffff  }
0x156: {  	v23 =	vor.u32 v17, v23;
	v20 =	vld.idx.msk [tilespmem:v22+s14+$0x0], $0xffff;
	v19 =	vand.u32 $0x7F, v19  }
0x157: {  	v30 =	vld.idx.msk [tilespmem:v21+s14+$0x0], $0xffff;
	v31 =	vor.u32 v17, v19;
	v19 =	vadd.s32 s0, v6  }
0x158: {  	v28 =	vld.idx.msk [tilespmem:v24+s13+$0x0], $0xffff;
	v19 =	vand.u32 $0x7F, v19  }
0x159: {  	v29 =	vadd.s32 s0, v14;
	v36 =	vadd.s32 s0, v12;
	v24 =	vld.idx.msk [tilespmem:v24+s14+$0x0], $0xffff;
	v33 =	vor.u32 v17, v19  }
0x15a: {  	v59 =	vand.u32 $0x7F, v36;
	v21 =	vld.idx.msk [tilespmem:v21+s13+$0x0], $0xffff;
	v19 =	vand.u32 $0x7F, v29  }
0x15b: {  	v42 =	vor.u32 v17, v59;
	v22 =	vor.u32 v17, v19;
	v19 =	vld.idx.msk [tilespmem:v23+s13+$0x0], $0xffff  }
0x15c: {  	v35 =	vadd.s32 s0, v10;
	v37 =	vadd.s32 s0, v16;
	v60 =	vadd.s32 s0, v13;
	v39 =	vld.idx.msk [tilespmem:v31+s14+$0x0], $0xffff  }
0x15d: {  	v41 =	vadd.s32 s0, v9;
	v61 =	vadd.s32 s0, v11;
	v38 =	vand.u32 $0x7F, v35;
	v31 =	vld.idx.msk [tilespmem:v31+s13+$0x0], $0xffff  }
0x15e: {  	v26 =	vmul.f32 v26, v27;
	v27 =	vand.u32 $0x7F, v41;
	v32 =	vmul.f32 v20, v32;
	v40 =	vld.idx.msk [tilespmem:v33+s14+$0x0], $0xffff  }
0x15f: {  	v29 =	vimm.f32 $0.0e+00;
	v25 =	vmul.f32 v34, v25;
	v41 =	vor.u32 v17, v27;
	v43 =	vld.idx.msk [tilespmem:v33+s13+$0x0], $0xffff  }
0x160: {  	v27 =	vand.u32 $0x7F, v61;
	v62 =	vmul.f32 v24, v28;
	v24 =	vadd.f32 v32, v29;
	v32 =	vld.idx.msk [tilespmem:v42+s13+$0x0], $0xffff  }
0x161: {  	v63 =	vadd.s32 s0, v15;
	v20 =	vor.u32 v17, v38;
	v38 =	vor.u32 v17, v27;
	v35 =	vld.idx.msk [tilespmem:v22+s14+$0x0], $0xffff  }
0x162: {  	v36 =	vand.u32 $0x7F, v60;
	v44 =	vand.u32 $0x7F, v37;
	v27 =	vadd.f32 v25, v29;
	v37 =	vld.idx.msk [tilespmem:v22+s13+$0x0], $0xffff  }
0x163: {  	v33 =	vld.idx.msk [tilespmem:v42+s14+$0x0], $0xffff;
	v25 =	vadd.f32 v62, v29;
	v42 =	vand.u32 $0x7F, v63;
	v31 =	vmul.f32 v39, v31  }
0x164: {  	v22 =	vadd.f32 v26, v29;
	v28 =	vld.idx.msk [tilespmem:v41+s13+$0x0], $0xffff;
	v39 =	vor.u32 v17, v36;
	v40 =	vmul.f32 v40, v43  }
0x165: {  	v36 =	vor.u32 v17, v44;
	v26 =	vadd.f32 v31, v29;
	v31 =	vld.idx.msk [tilespmem:v41+s14+$0x0], $0xffff;
	v41 =	vmul.f32 v30, v21  }
0x166: {  	s18 =	simm.s32 $0x10;
	v34 =	vld.idx.msk [tilespmem:v38+s13+$0x0], $0xffff;
	v21 =	vimm.f32 $0.0e+00;
	v30 =	vadd.f32 v40, v29;
	v40 =	vor.u32 v17, v42  }
.LBB2_15:
0x167: {  	v42 =	vadd.s32 s18, v2;
	v43 =	vadd.s32 s18, v4;
	p0 =	sne.s32 s18, $0x70;
	v38 =	vld.idx.msk [tilespmem:v38+s14+$0x0], $0xffff;
	v35 =	vmul.f32 v35, v37;
	s20 =	smov.u32 s18;
	s18 =	sadd.s32 $0x10, s18  }
0x168: {  	v37 =	vand.u32 $0x7F, v42;
	v42 =	vadd.s32 s20, v5;
	v29 =	vadd.f32 v41, v29;
	v23 =	vld.idx.msk [tilespmem:v23+s14+$0x0], $0xffff  }
0x169: {  	v41 =	vadd.s32 s20, v3;
	v44 =	vadd.s32 s20, v16;
	v37 =	vor.u32 v17, v37;
	v45 =	vld.idx.msk [tilespmem:v39+s13+$0x0], $0xffff  }
0x16a: {  	v46 =	vadd.s32 s20, v10;
	v41 =	vand.u32 $0x7F, v41;
	v42 =	vand.u32 $0x7F, v42;
	v39 =	vld.idx.msk [tilespmem:v39+s14+$0x0], $0xffff  }
0x16b: {  	v46 =	vand.u32 $0x7F, v46;
	v41 =	vor.u32 v17, v41;
	v42 =	vor.u32 v17, v42;
	v47 =	vld.idx.msk [tilespmem:v40+s13+$0x0], $0xffff  }
0x16c: {  	v43 =	vand.u32 $0x7F, v43;
	v48 =	vadd.s32 s20, v13;
	v49 =	vadd.s32 s20, v14;
	v40 =	vld.idx.msk [tilespmem:v40+s14+$0x0], $0xffff  }
0x16d: {  	v43 =	vor.u32 v17, v43;
	v48 =	vand.u32 $0x7F, v48;
	v49 =	vand.u32 $0x7F, v49;
	v50 =	vld.idx.msk [tilespmem:v20+s13+$0x0], $0xffff  }
0x16e: {  	v51 =	vadd.s32 s20, v7;
	v52 =	vadd.s32 s20, v12;
	v32 =	vmul.f32 v33, v32;
	v33 =	vld.idx.msk [tilespmem:v36+s13+$0x0], $0xffff  }
0x16f: {  	v53 =	vadd.s32 s20, v6;
	v46 =	vor.u32 v17, v46;
	v49 =	vor.u32 v17, v49;
	v36 =	vld.idx.msk [tilespmem:v36+s14+$0x0], $0xffff  }
0x170: {  	v54 =	vor.u32 s20, v18;
	v56 =	vadd.s32 s20, v11;
	v53 =	vand.u32 $0x7F, v53;
	v55 =	vld.idx.msk [tilespmem:v41+s13+$0x0], $0xffff  }
0x171: {  	v51 =	vand.u32 $0x7F, v51;
	v53 =	vor.u32 v17, v53;
	v39 =	vmul.f32 v39, v45;
	v57 =	vld.idx.msk [tilespmem:v20+s14+$0x0], $0xffff;
	v20 =	vmovc v46  }
0x172: {  	v34 =	vmul.f32 v38, v34;
	v46 =	vor.u32 v17, v51;
	v51 =	vadd.s32 s20, v8;
	v45 =	vld.idx.msk [tilespmem:v42+s14+$0x0], $0xffff  }
0x173: {  	v40 =	vmul.f32 v40, v47;
	v38 =	vld.idx.msk [tilespmem:v42+s13+$0x0], $0xffff;
	v42 =	vand.u32 $0x7F, v51;
	v51 =	vand.u32 $0x7F, v56  }
0x174: {  	v52 =	vand.u32 $0x7F, v52;
	v19 =	vmul.f32 v23, v19;
	v22 =	vadd.f32 v39, v22;
	v47 =	vld.idx.msk [tilespmem:v37+s14+$0x0], $0xffff  }
0x175: {  	v27 =	vadd.f32 v34, v27;
	v24 =	vadd.f32 v40, v24;
	v23 =	vor.u32 v17, v42;
	v39 =	vld.idx.msk [tilespmem:v54+s13+$0x0], $0xffff  }
0x176: {  	v28 =	vmul.f32 v31, v28;
	v26 =	vadd.f32 v32, v26;
	v31 =	vmul.f32 v36, v33;
	v34 =	vld.idx.msk [tilespmem:v54+s14+$0x0], $0xffff  }
0x177: {  	v30 =	vadd.f32 v35, v30;
	v19 =	vadd.f32 v19, v21;
	v21 =	vmul.f32 v57, v50;
	v32 =	vld.idx.msk [tilespmem:v46+s13+$0x0], $0xffff  }
0x178: {  	v25 =	vadd.f32 v28, v25;
	v36 =	vand.u32 $0x7F, v44;
	v33 =	vld.idx.msk [tilespmem:v41+s14+$0x0], $0xffff  }
0x179: {  	v28 =	vmul.f32 v45, v38;
	v29 =	vadd.f32 v21, v29;
	v21 =	vadd.f32 v31, v19;
	v35 =	vld.idx.msk [tilespmem:v46+s14+$0x0], $0xffff  }
0x17a: {  	v19 =	vld.idx.msk [tilespmem:v23+s13+$0x0], $0xffff  }
0x17b: {  	v22 =	vadd.f32 v28, v22;
	v31 =	vld.idx.msk [tilespmem:v43+s14+$0x0], $0xffff  }
0x17c: {  	v34 =	vmul.f32 v34, v39;
	v28 =	vld.idx.msk [tilespmem:v43+s13+$0x0], $0xffff  }
0x17d: {  	v40 =	vor.u32 v17, v52;
	v38 =	vadd.s32 s20, v9;
	v39 =	vld.idx.msk [tilespmem:v53+s14+$0x0], $0xffff  }
0x17e: {  	v38 =	vand.u32 $0x7F, v38;
	v41 =	vld.idx.msk [tilespmem:v53+s13+$0x0], $0xffff  }
0x17f: {  	v42 =	vor.u32 v17, v38;
	v32 =	vmul.f32 v35, v32;
	v35 =	vld.idx.msk [tilespmem:v49+s14+$0x0], $0xffff  }
0x180: {  	v43 =	vld.idx.msk [tilespmem:v37+s13+$0x0], $0xffff  }
0x181: {  	v38 =	vor.u32 v17, v51;
	v33 =	vmul.f32 v33, v55;
	v24 =	vadd.f32 v32, v24;
	v37 =	vld.idx.msk [tilespmem:v49+s13+$0x0], $0xffff  }
.Ltmp6:
0x182: {  	v28 =	vmul.f32 v31, v28;
	v32 =	vld.idx.msk [tilespmem:v40+s13+$0x0], $0xffff;
	(pc) =	sbr.rel @p0 .LBB2_15-.Ltmp6, $4  }
0x183: {  	v27 =	vadd.f32 v33, v27;
	v33 =	vld.idx.msk [tilespmem:v40+s14+$0x0], $0xffff;
	v40 =	vadd.s32 s20, v15  }
0x184: {  	v26 =	vadd.f32 v28, v26;
	v44 =	vmul.f32 v39, v41;
	v39 =	vor.u32 v17, v48;
	v28 =	vld.idx.msk [tilespmem:v42+s13+$0x0], $0xffff  }
0x185: {  	v36 =	vor.u32 v17, v36;
	v25 =	vadd.f32 v34, v25;
	v40 =	vand.u32 $0x7F, v40;
	v31 =	vld.idx.msk [tilespmem:v42+s14+$0x0], $0xffff  }
0x186: {  	v41 =	vmul.f32 v47, v43;
	v30 =	vadd.f32 v44, v30;
	v40 =	vor.u32 v17, v40;
	v34 =	vld.idx.msk [tilespmem:v38+s13+$0x0], $0xffff  }
0x187: {  	_ =	sdelay $0x3  }
0x188: {  	v17 =	vld.idx.msk [tilespmem:v38+s14+$0x0], $0xffff  }
0x189: {  	v18 =	vld.idx.msk [tilespmem:v23+s14+$0x0], $0xffff  }
0x18a: {  	v51 =	vld.idx.msk [tilespmem:v39+s13+$0x0], $0xffff  }
0x18b: {  	v52 =	vld.idx.msk [tilespmem:v39+s14+$0x0], $0xffff  }
0x18c: {  	v53 =	vld.idx.msk [tilespmem:v40+s13+$0x0], $0xffff  }
0x18d: {  	v54 =	vld.idx.msk [tilespmem:v40+s14+$0x0], $0xffff  }
0x18e: {  	v42 =	vld.idx.msk [tilespmem:v20+s13+$0x0], $0xffff  }
0x18f: {  	v43 =	vld.idx.msk [tilespmem:v36+s13+$0x0], $0xffff  }
0x190: {  	v55 =	vld.idx.msk [tilespmem:v20+s14+$0x0], $0xffff  }
0x191: {  	v35 =	vmul.f32 v35, v37;
	v56 =	vld.idx.msk [tilespmem:v36+s14+$0x0], $0xffff  }
0x192: {  	v29 =	vadd.f32 v41, v29;
	v32 =	vmul.f32 v33, v32  }
0x193: {  	v63 =	vadd.f32 v35, v30;
	v59 =	vmul.f32 v31, v28;
	v23 =	vmul.f32 v52, v51  }
0x194: {  	v60 =	vadd.f32 v32, v26;
	v17 =	vmul.f32 v17, v34;
	v18 =	vmul.f32 v18, v19  }
0x195: {  	v57 =	vmul.f32 v54, v53;
	v20 =	vmul.f32 v55, v42;
	v62 =	vadd.f32 v59, v25  }
0x196: {  	v61 =	vmul.f32 v56, v43;
	v19 =	vadd.f32 v23, v22;
	v18 =	vadd.f32 v18, v21  }
0x197: {  	v17 =	vadd.f32 v17, v27;
	v20 =	vadd.f32 v20, v29  }
0x198: {  	v58 =	vadd.f32 v57, v24;
	v18 =	vadd.f32 v61, v18  }
0x199: {  	v20 =	vadd.f32 v20, v62;
	v17 =	vadd.f32 v60, v17  }
0x19a: {  	s3 =	sadd.s32 $0x1, s3;
	v19 =	vadd.f32 v63, v19;
	v18 =	vadd.f32 v18, v58  }
0x19b: {  	p0 =	sne.s32 s3, $0x8  }
.Ltmp7:
0x19c: {  	v17 =	vadd.f32 v17, v20;
	v18 =	vadd.f32 v18, v19;
	(pc) =	sbr.rel @p0 .LBB2_14-.Ltmp7, $3  }
0x19d: {  	_ = 	snop  }
0x19e: {  	v17 =	vadd.f32 v18, v17;
	_ =	sdelay $0x1  }
0x19f: {  	[tilespmem:s16+$0x18580] =	vst v17  }
0x1a0: {  	s31 =	sadd.s32 $0x1, s31  }
0x1a1: {  	p0 =	sne.s32 s31, s8  }
.Ltmp8:
0x1a2: {  	_ = 	snop;
	(pc) =	sbr.rel @p0 .LBB2_1-.Ltmp8, $4  }
0x1a3: {  	[hbm4b:s7+s4] =	stream.linear.scatter [tilespmem:s29], [sflag:$0x7], $0x200, $0x38;
	[tilespmem:$0x18600] =	vst v63  }
0x1a4: {  	_ =	swait.ge [sflag:s30], $0x200  }
0x1a5: {  	[sflag:s30] =	ssyncset.done $0x0  }
0x1a6: {  	[sflag:s30] =	ssyncadd.s32 $0xFFFFFE00  }
0x1a7: {  	_ =	sfence.sel $0x180000  }
0x1a8: {  	[bflag:$0x0] =	sbarrier.arrive $0xFFFF  }
0x1a9: {  	_ =	strace $0x90000047  }
0x1aa: {  	s0 =	stileid.u32;
	[bflag:$0x2] =	sbarrier.arrive $0xFFFF  }
0x1ab: {  	p0 =	sne.s32 s0, $0x0;
	s0 =	rddreg [dreg:$0x5]  }
0x1ac: {  	s0 =	sadd.s32 @!p0 $0x100000, s0  }
0x1ad: {  	[sflag:s0] =	ssyncadd.tile.s32 @!p0 $0x1;
	_ =	shalt  }
.Lfunc_end2:
_tile_overlayer_lowered:
.L_overlay_start_2:
0x1ae: {  	(tag) =	ssettag $0x2  }
0x1af: {  	s0 =	rddreg [dreg:$0x0];
	s2 =	stileid.u32  }
0x1b0: {  	s1 =	rddreg [dreg:$0x1];
	p0 =	sne.s32 s2, $0x0  }
0x1b1: {  	s3 =	rddreg [dreg:$0x2];
	[bflag:$0x3] =	sbarrier.arrive $0xFFFF;
	s2 =	simm.s32 @!p0 $0x1C07  }
0x1b2: {  	[timem:s3], [sflag:s2] =	dma.local @!p0 [hbm:s0], s1  }
0x1b3: {  	s0 =	simm.s32 @!p0 $0x7  }
0x1b4: {  	_ =	swait.ge @!p0 [sflag:s0], s1  }
0x1b5: {  	s1 =	ssub.s32 @!p0 $0x0, s1;
	[sflag:s0] =	ssyncset.done @!p0 $0x0  }
0x1b6: {  	[sflag:s0] =	ssyncadd.s32 @!p0 s1  }
0x1b7: {  	[bflag:$0x3] =	sbarrier.arrive $0xFFFF  }
0x1b8: {  	_ =	shalt  }

</sc_bundles>
